<compile_context>
chip_gen: v7x
topology: tpu7x:2x2x1
jax: 0.10.2.dev20260603
libtpu: 0.0.44.dev20260713+nightly
codegen_flags: <defaults>
</compile_context>

<pallas_src>
import functools

import jax
import jax.numpy as jnp
import numpy as np
from jax import lax
from jax.experimental import pallas as pl
from jax.experimental.pallas import tpu as pltpu
from jax.experimental.pallas import tpu_sc as plsc

RADIUS = 130
F = 128
B = 4
R = RADIUS - 1
NROWS = 2 * R + 1
RT = 7
NT = NROWS // RT
R2 = 273
C2 = 264
_OFFS = [(-1, -1), (-1, 0), (0, -1), (0, 0), (0, 1), (1, 0), (1, 1)]


def _coords():
    out = []
    for i in range(-R, R + 1):
        for k in range(-R, R + 1):
            if abs(i - k) <= R:
                out.append((i, k))
    return out


_COORDS = _coords()
N = len(_COORDS)
BN = B * N
_ZROW = BN

_G = 128
_GK = 4
_NW = 32

_PB = 539
_PCELLS = 261 * C2
_PTAIL = _PCELLS - _G
_PCH = 2176
_PPW = _PCH // _NW
_PNG = _PPW // _GK

_NCH_A = 1572
_CPW = 52
_NGW = _CPW // _GK
_TAIL_OFF = BN - _G


def _build_static():
    cells = np.empty((BN,), dtype=np.int64)
    ocells = np.empty((BN,), dtype=np.int64)
    j = 0
    for b in range(B):
        for (i, k) in _COORDS:
            cells[j] = (b * R2 + 7 + (i + R)) * C2 + (k + R + 1)
            ocells[j] = (b * NROWS + (i + R)) * C2 + (k + R + 1)
            j += 1
    ncell = B * R2 * C2
    inv = _ZROW + (np.arange(ncell, dtype=np.int64) % 128)
    inv[cells] = np.arange(BN, dtype=np.int64)
    pad_idx = np.empty((_PCH, _G), dtype=np.int32)
    for c in range(_PCH):
        cc = min(c, 4 * _PB - 1)
        b, cb = divmod(cc, _PB)
        off = b * R2 * C2 + 6 * C2 + min(cb * _G, _PTAIL)
        pad_idx[c] = inv[off:off + _G]
    pad_idx = pad_idx.reshape(_NW, _PNG, _GK, _G)
    nch = _NW * _CPW
    cmp_idx = np.empty((nch, _G), dtype=np.int32)
    for c in range(nch):
        src = min(c, _NCH_A - 1) * _G
        cmp_idx[c] = ocells[src:src + _G]
    cmp_idx = cmp_idx.reshape(_NW, _NGW, _GK, _G)
    t = slice(_TAIL_OFF, BN)
    tail_cmp = ocells[t].astype(np.int32).reshape(1, _G)
    tail_row = np.arange(_TAIL_OFF, BN, dtype=np.int32).reshape(1, _G)
    return pad_idx, cmp_idx, tail_cmp, tail_row


_PAD_IDX, _CMP_IDX, _TAIL_CMP, _TAIL_ROW = _build_static()


def _sc_pad(x_pad, pad_idx):
    mesh = plsc.VectorSubcoreMesh(core_axis_name="c", subcore_axis_name="s")

    @functools.partial(
        pl.kernel,
        mesh=mesh,
        out_type=jax.ShapeDtypeStruct((B * R2 * C2, F), jnp.float32),
        scratch_types=[
            pltpu.VMEM((_PNG, _GK, _G), jnp.int32),
            pltpu.VMEM((_GK, _G, F), jnp.float32),
            pltpu.SemaphoreType.DMA,
            pltpu.SemaphoreType.DMA,
        ],
    )
    def k(x_hbm, pidx_hbm, xd_hbm, pidx_v, buf, gsem, psem):
        wid = lax.axis_index("s") * 2 + lax.axis_index("c")
        pltpu.sync_copy(pidx_hbm.at[wid], pidx_v)

        def body(j, carry):
            gets = [
                pltpu.async_copy(x_hbm.at[pidx_v.at[j, i]], buf.at[i], gsem)
                for i in range(_GK)
            ]
            for h in gets:
                h.wait()
            puts = []
            for i in range(_GK):
                c = jnp.minimum(wid * _PPW + j * _GK + i, 4 * _PB - 1)
                b = c // _PB
                cb = c - b * _PB
                off = b * (R2 * C2) + 6 * C2 + jnp.minimum(cb * _G, _PTAIL)
                off = pl.multiple_of(off, 8)
                puts.append(
                    pltpu.async_copy(buf.at[i], xd_hbm.at[pl.ds(off, _G)], psem)
                )
            for h in puts:
                h.wait()
            return carry

        lax.fori_loop(0, _PNG, body, 0)

    return k(x_pad, pad_idx)


def _tc_conv(xd, w, bias2):
    def body(top_ref, mid_ref, bot_ref, w_ref, b_ref, o_ref):
        full = jnp.concatenate(
            [top_ref[...], mid_ref[...], bot_ref[...]], axis=1
        )
        acc = None
        for m, (di, dk) in enumerate(_OFFS):
            win = full[:, 1 + di:1 + di + RT]
            if dk:
                win = jnp.roll(win, -dk, axis=2)
            x2 = win.reshape(B * RT * C2, F)
            p = jnp.dot(x2, w_ref[m], preferred_element_type=jnp.float32)
            acc = p if acc is None else acc + p
        o_ref[...] = (acc + b_ref[...]).reshape(B, RT, C2, F)

    return pl.pallas_call(
        body,
        grid=(NT,),
        in_specs=[
            pl.BlockSpec((B, 1, C2, F), lambda t: (0, 6 + 7 * t, 0, 0)),
            pl.BlockSpec((B, RT, C2, F), lambda t: (0, t + 1, 0, 0)),
            pl.BlockSpec((B, 1, C2, F), lambda t: (0, 14 + 7 * t, 0, 0)),
            pl.BlockSpec((7, F, F), lambda t: (0, 0, 0)),
            pl.BlockSpec((1, F), lambda t: (0, 0)),
        ],
        out_specs=pl.BlockSpec((B, RT, C2, F), lambda t: (0, t, 0, 0)),
        out_shape=jax.ShapeDtypeStruct((B, NROWS, C2, F), jnp.float32),
    )(xd, xd, xd, w, bias2)


def _sc_compact(outd_flat, cmp_idx, tail_cmp, tail_row):
    mesh = plsc.VectorSubcoreMesh(core_axis_name="c", subcore_axis_name="s")

    @functools.partial(
        pl.kernel,
        mesh=mesh,
        out_type=jax.ShapeDtypeStruct((BN, F), jnp.float32),
        scratch_types=[
            pltpu.VMEM((_NGW, _GK, _G), jnp.int32),
            pltpu.VMEM((2, _G), jnp.int32),
            pltpu.VMEM((_GK, _G, F), jnp.float32),
            pltpu.SemaphoreType.DMA,
            pltpu.SemaphoreType.DMA,
        ],
    )
    def k(outd_hbm, cidx_hbm, tcmp_hbm, trow_hbm, o_hbm,
          idx_v, tidx_v, buf, gsem, psem):
        wid = lax.axis_index("s") * 2 + lax.axis_index("c")
        pltpu.sync_copy(cidx_hbm.at[wid], idx_v)

        @pl.when(wid == 0)
        def _tail():
            pltpu.sync_copy(tcmp_hbm, tidx_v.at[pl.ds(0, 1)])
            pltpu.sync_copy(trow_hbm, tidx_v.at[pl.ds(1, 1)])
            pltpu.async_copy(outd_hbm.at[tidx_v.at[0]], buf.at[0], gsem).wait()
            pltpu.async_copy(buf.at[0], o_hbm.at[tidx_v.at[1]], psem).wait()

        def body(j, carry):
            gets = [
                pltpu.async_copy(outd_hbm.at[idx_v.at[j, i]], buf.at[i], gsem)
                for i in range(_GK)
            ]
            for h in gets:
                h.wait()
            puts = []
            for i in range(_GK):
                dst = jnp.minimum(wid * _CPW + j * _GK + i, _NCH_A - 1) * _G
                dst = pl.multiple_of(dst, 8)
                puts.append(
                    pltpu.async_copy(buf.at[i], o_hbm.at[pl.ds(dst, _G)], psem)
                )
            for h in puts:
                h.wait()
            return carry

        lax.fori_loop(0, _NGW, body, 0)

    return k(outd_flat, cmp_idx, tail_cmp, tail_row)


def kernel(inputs, kernel_weights, bias):
    x_flat = inputs.reshape(BN, F)
    x_pad = jnp.concatenate(
        [x_flat, jnp.zeros((128, F), jnp.float32)], axis=0
    )
    xd_flat = _sc_pad(x_pad, jnp.asarray(_PAD_IDX))
    xd = xd_flat.reshape(B, R2, C2, F)
    out_d = _tc_conv(xd, kernel_weights, bias.reshape(1, F))
    out = _sc_compact(
        out_d.reshape(B * NROWS * C2, F),
        jnp.asarray(_CMP_IDX),
        jnp.asarray(_TAIL_CMP),
        jnp.asarray(_TAIL_ROW),
    )
    return out.reshape(B, N, F)

# --- scband reference (transcript-rebuilt; emitter-appended) ---
"""Pipeline reference for scband-hex-conv-40647570489894 (READ-ONLY COPY).

The authoritative reference and input builder live on the scoring server;
editing this copy changes nothing except your own understanding.
"""

import jax, jax.numpy as jnp
import numpy as np

RADIUS = 130
IN_FEATURES = 128
OUTPUT_DIM = 128
BATCH = 4
KERNEL_SIZE = 7


def build_neighbor_indices(radius):
    # Hexagonal grid in (i, k) axial coords with cube coords (i, -k, k - i);
    # a grid of 'radius' R contains all blocks with max(|i|, |k|, |i-k|) <= R-1,
    # giving 3*(R-1)*R + 1 blocks (R=4 -> 37, matching the docstring).
    r = radius - 1
    coords = []
    for i in range(-r, r + 1):
        for k in range(-r, r + 1):
            if abs(i - k) <= r:
                coords.append((i, k))
    index = {c: n for n, c in enumerate(coords)}
    offsets = [(-1, -1), (-1, 0), (0, -1), (0, 0), (0, 1), (1, 0), (1, 1)]
    nbr = np.full((len(offsets), len(coords)), -1, dtype=np.int32)
    for n, (i, k) in enumerate(coords):
        for m, (di, dk) in enumerate(offsets):
            nbr[m, n] = index.get((i + di, k + dk), -1)
    return nbr


NBR = jnp.asarray(build_neighbor_indices(RADIUS))  # [7, NUM_BLOCKS], -1 = invalid
NUM_BLOCKS = int(NBR.shape[1])


def setup_inputs(seed: int = 0) -> dict:
    key = jax.random.key(seed)
    k1, k2 = jax.random.split(key)
    inputs = jax.random.normal(k1, (BATCH, NUM_BLOCKS, IN_FEATURES), dtype=jnp.float32)
    # glorot_uniform for kernel of shape (kernel_size, in_features, output_dim)
    limit = float(np.sqrt(6.0 / (IN_FEATURES + OUTPUT_DIM)))
    kernel_weights = jax.random.uniform(
        k2, (KERNEL_SIZE, IN_FEATURES, OUTPUT_DIM),
        minval=-limit, maxval=limit, dtype=jnp.float32)
    bias = jnp.zeros((OUTPUT_DIM,), dtype=jnp.float32)
    return {"inputs": inputs, "kernel_weights": kernel_weights, "bias": bias}


def reference(inputs, kernel_weights, bias):
    # Faithful translation of HexConv.call with shrink=False, no activation,
    # no regularizers: for each of the 7 kernel taps, gather neighbor features
    # (invalid neighbors masked to zero), project with the per-tap weight
    # matrix, sum the taps, and add the bias.
    result = None
    for k in range(KERNEL_SIZE):
        idx = NBR[k]
        masked_indices = jnp.where(idx >= 0, idx, jnp.zeros_like(idx))
        selected = jnp.take(inputs, masked_indices, axis=1)  # [B, N, F] gather
        mask = (idx >= 0).astype(jnp.float32)[None, :, None]
        selected = selected * mask
        proj = jnp.einsum('bnf,fo->bno', selected, kernel_weights[k])
        result = proj if result is None else result + proj
    return result + bias

if __name__ == "__main__":
    import jax
    _d = setup_inputs()
    print(jax.jit(kernel)(*tuple(_d.values())))

</pallas_src>

<mosaic_0001>
#map = affine_map<(d0, d1) -> (0, 0)>
#map1 = affine_map<(d0, d1) -> (0, 0, 0, 0)>
module attributes {stable_mosaic.version = 14 : i64} {
  func.func @k(%arg0: i32, %arg1: i32, %arg2: memref<273504x128xf32, #tpu.memory_space<hbm>>, %arg3: memref<32x13x4x128xi32, #tpu.memory_space<hbm>>, %arg4: memref<1x128xi32, #tpu.memory_space<hbm>>, %arg5: memref<1x128xi32, #tpu.memory_space<hbm>>, %arg6: memref<201244x128xf32, #tpu.memory_space<hbm>>, %arg7: memref<13x4x128xi32, #tpu.memory_space<vmem>>, %arg8: memref<2x128xi32, #tpu.memory_space<vmem>>, %arg9: memref<4x128x128xf32, #tpu.memory_space<vmem>>, %arg10: memref<!tpu.dma_semaphore, #tpu.memory_space<semaphore_mem>>, %arg11: memref<!tpu.dma_semaphore, #tpu.memory_space<semaphore_mem>>) attributes {dimension_semantics = [#tpu.dimension_semantics<core_parallel>, #tpu.dimension_semantics<subcore_parallel>], iteration_bounds = array<i64: 2, 16>, scalar_prefetch = 0 : i64, scratch_operands = 5 : i64, tpu.core_type = #tpu.core_type<sc_vector_subcore>, window_params = [{transform_indices = #map}, {transform_indices = #map1}, {transform_indices = #map}, {transform_indices = #map}, {transform_indices = #map}]} {
    %mul3A = arith.constant 2 : i32
    %mul3A_0 = arith.muli %arg1, %mul3A : i32
    %add3A = arith.addi %mul3A_0, %arg0 : i32
    "tpu.region"() ({
      %run_scoped3A = tpu.sem_alloc : memref<!tpu.dma_semaphore, #tpu.memory_space<semaphore_mem>>
      %dma_start3A = arith.constant 0 : i32
      %dma_start3A_8 = arith.constant 0 : i32
      %dma_start3A_9 = arith.constant 0 : i32
      %dma_start3A_10 = tpu.memref_slice %arg3[%add3A, %dma_start3A, %dma_start3A_8, %dma_start3A_9] : memref<32x13x4x128xi32, #tpu.memory_space<hbm>> -> memref<1x13x4x128xi32, #tpu.memory_space<hbm>>
      %dma_start3A_11 = tpu.memref_squeeze %dma_start3A_10 : memref<1x13x4x128xi32, #tpu.memory_space<hbm>> -> memref<13x4x128xi32, #tpu.memory_space<hbm>>
      %dma_start3A_12 = arith.constant 0 : i32
      %dma_start3A_13 = arith.constant 0 : i32
      %dma_start3A_14 = arith.constant 0 : i32
      %dma_start3A_15 = tpu.memref_slice %arg3[%add3A, %dma_start3A_12, %dma_start3A_13, %dma_start3A_14] : memref<32x13x4x128xi32, #tpu.memory_space<hbm>> -> memref<1x13x4x128xi32, #tpu.memory_space<hbm>>
      %dma_start3A_16 = tpu.memref_squeeze %dma_start3A_15 : memref<1x13x4x128xi32, #tpu.memory_space<hbm>> -> memref<13x4x128xi32, #tpu.memory_space<hbm>>
      tpu.enqueue_dma source(%dma_start3A_16 : memref<13x4x128xi32, #tpu.memory_space<hbm>>) target(%arg7 : memref<13x4x128xi32, #tpu.memory_space<vmem>>) target_semaphore(%run_scoped3A : memref<!tpu.dma_semaphore, #tpu.memory_space<semaphore_mem>>)
      %dma_wait3A = arith.constant 0 : i32
      %dma_wait3A_17 = arith.constant 0 : i32
      %dma_wait3A_18 = arith.constant 0 : i32
      %dma_wait3A_19 = tpu.memref_slice %arg3[%add3A, %dma_wait3A, %dma_wait3A_17, %dma_wait3A_18] : memref<32x13x4x128xi32, #tpu.memory_space<hbm>> -> memref<1x13x4x128xi32, #tpu.memory_space<hbm>>
      %dma_wait3A_20 = tpu.memref_squeeze %dma_wait3A_19 : memref<1x13x4x128xi32, #tpu.memory_space<hbm>> -> memref<13x4x128xi32, #tpu.memory_space<hbm>>
      %dma_wait3A_21 = arith.constant 0 : i32
      %dma_wait3A_22 = arith.constant 0 : i32
      %dma_wait3A_23 = arith.constant 0 : i32
      %dma_wait3A_24 = tpu.memref_slice %arg3[%add3A, %dma_wait3A_21, %dma_wait3A_22, %dma_wait3A_23] : memref<32x13x4x128xi32, #tpu.memory_space<hbm>> -> memref<1x13x4x128xi32, #tpu.memory_space<hbm>>
      %dma_wait3A_25 = tpu.memref_squeeze %dma_wait3A_24 : memref<1x13x4x128xi32, #tpu.memory_space<hbm>> -> memref<13x4x128xi32, #tpu.memory_space<hbm>>
      tpu.wait_dma2 semaphore(%run_scoped3A : memref<!tpu.dma_semaphore, #tpu.memory_space<semaphore_mem>>) src(%dma_wait3A_25 : memref<13x4x128xi32, #tpu.memory_space<hbm>>) dst(%arg7 : memref<13x4x128xi32, #tpu.memory_space<vmem>>)
      tpu.yield
    }) : () -> ()
    %eq3A = arith.constant 0 : i32
    %eq3A_1 = arith.cmpi eq, %add3A, %eq3A : i32
    %convert_element_type3A = arith.extui %eq3A_1 : i1 to i32
    %cond3A = arith.constant 0 : i32
    %cond3A_2 = arith.cmpi ne, %convert_element_type3A, %cond3A : i32
    scf.if %cond3A_2 {
      "tpu.region"() ({
        %run_scoped3A = tpu.sem_alloc : memref<!tpu.dma_semaphore, #tpu.memory_space<semaphore_mem>>
        %dma_start3A_54 = arith.constant 0 : i32
        %dma_start3A_55 = arith.constant 0 : i32
        %dma_start3A_56 = tpu.memref_slice %arg8[%dma_start3A_54, %dma_start3A_55] : memref<2x128xi32, #tpu.memory_space<vmem>> -> memref<1x128xi32, #tpu.memory_space<vmem>>
        %dma_start3A_57 = arith.constant 0 : i32
        %dma_start3A_58 = arith.constant 0 : i32
        %dma_start3A_59 = tpu.memref_slice %arg8[%dma_start3A_57, %dma_start3A_58] : memref<2x128xi32, #tpu.memory_space<vmem>> -> memref<1x128xi32, #tpu.memory_space<vmem>>
        tpu.enqueue_dma source(%arg4 : memref<1x128xi32, #tpu.memory_space<hbm>>) target(%dma_start3A_59 : memref<1x128xi32, #tpu.memory_space<vmem>>) target_semaphore(%run_scoped3A : memref<!tpu.dma_semaphore, #tpu.memory_space<semaphore_mem>>)
        %dma_wait3A_60 = arith.constant 0 : i32
        %dma_wait3A_61 = arith.constant 0 : i32
        %dma_wait3A_62 = tpu.memref_slice %arg8[%dma_wait3A_60, %dma_wait3A_61] : memref<2x128xi32, #tpu.memory_space<vmem>> -> memref<1x128xi32, #tpu.memory_space<vmem>>
        %dma_wait3A_63 = arith.constant 0 : i32
        %dma_wait3A_64 = arith.constant 0 : i32
        %dma_wait3A_65 = tpu.memref_slice %arg8[%dma_wait3A_63, %dma_wait3A_64] : memref<2x128xi32, #tpu.memory_space<vmem>> -> memref<1x128xi32, #tpu.memory_space<vmem>>
        tpu.wait_dma2 semaphore(%run_scoped3A : memref<!tpu.dma_semaphore, #tpu.memory_space<semaphore_mem>>) src(%arg4 : memref<1x128xi32, #tpu.memory_space<hbm>>) dst(%dma_wait3A_65 : memref<1x128xi32, #tpu.memory_space<vmem>>)
        tpu.yield
      }) : () -> ()
      "tpu.region"() ({
        %run_scoped3A = tpu.sem_alloc : memref<!tpu.dma_semaphore, #tpu.memory_space<semaphore_mem>>
        %dma_start3A_54 = arith.constant 1 : i32
        %dma_start3A_55 = arith.constant 0 : i32
        %dma_start3A_56 = tpu.memref_slice %arg8[%dma_start3A_54, %dma_start3A_55] : memref<2x128xi32, #tpu.memory_space<vmem>> -> memref<1x128xi32, #tpu.memory_space<vmem>>
        %dma_start3A_57 = arith.constant 1 : i32
        %dma_start3A_58 = arith.constant 0 : i32
        %dma_start3A_59 = tpu.memref_slice %arg8[%dma_start3A_57, %dma_start3A_58] : memref<2x128xi32, #tpu.memory_space<vmem>> -> memref<1x128xi32, #tpu.memory_space<vmem>>
        tpu.enqueue_dma source(%arg5 : memref<1x128xi32, #tpu.memory_space<hbm>>) target(%dma_start3A_59 : memref<1x128xi32, #tpu.memory_space<vmem>>) target_semaphore(%run_scoped3A : memref<!tpu.dma_semaphore, #tpu.memory_space<semaphore_mem>>)
        %dma_wait3A_60 = arith.constant 1 : i32
        %dma_wait3A_61 = arith.constant 0 : i32
        %dma_wait3A_62 = tpu.memref_slice %arg8[%dma_wait3A_60, %dma_wait3A_61] : memref<2x128xi32, #tpu.memory_space<vmem>> -> memref<1x128xi32, #tpu.memory_space<vmem>>
        %dma_wait3A_63 = arith.constant 1 : i32
        %dma_wait3A_64 = arith.constant 0 : i32
        %dma_wait3A_65 = tpu.memref_slice %arg8[%dma_wait3A_63, %dma_wait3A_64] : memref<2x128xi32, #tpu.memory_space<vmem>> -> memref<1x128xi32, #tpu.memory_space<vmem>>
        tpu.wait_dma2 semaphore(%run_scoped3A : memref<!tpu.dma_semaphore, #tpu.memory_space<semaphore_mem>>) src(%arg5 : memref<1x128xi32, #tpu.memory_space<hbm>>) dst(%dma_wait3A_65 : memref<1x128xi32, #tpu.memory_space<vmem>>)
        tpu.yield
      }) : () -> ()
      %dma_start3A = arith.constant 0 : i32
      %dma_start3A_8 = arith.constant 0 : i32
      %dma_start3A_9 = arith.constant 0 : i32
      %dma_start3A_10 = arith.constant 0 : i32
      %dma_start3A_11 = tpu.memref_slice %arg9[%dma_start3A_8, %dma_start3A_9, %dma_start3A_10] : memref<4x128x128xf32, #tpu.memory_space<vmem>> -> memref<1x128x128xf32, #tpu.memory_space<vmem>>
      %dma_start3A_12 = tpu.memref_squeeze %dma_start3A_11 : memref<1x128x128xf32, #tpu.memory_space<vmem>> -> memref<128x128xf32, #tpu.memory_space<vmem>>
      %dma_start3A_13 = arith.constant 0 : i32
      %dma_start3A_14 = tpu.memref_slice %arg8[%dma_start3A, %dma_start3A_13] : memref<2x128xi32, #tpu.memory_space<vmem>> -> memref<1x128xi32, #tpu.memory_space<vmem>>
      %dma_start3A_15 = tpu.memref_squeeze %dma_start3A_14 : memref<1x128xi32, #tpu.memory_space<vmem>> -> memref<128xi32, #tpu.memory_space<vmem>>
      %dma_start3A_16 = arith.constant 0 : i32
      %dma_start3A_17 = arith.constant 0 : i32
      %dma_start3A_18 = tpu.memref_slice %arg2[%dma_start3A_16, %dma_start3A_17] : memref<273504x128xf32, #tpu.memory_space<hbm>> -> memref<273504x128xf32, #tpu.memory_space<hbm>>
      tpu.enqueue_indirect_dma source(%dma_start3A_18 : memref<273504x128xf32, #tpu.memory_space<hbm>>) target(%dma_start3A_12 : memref<128x128xf32, #tpu.memory_space<vmem>>) offsets(%dma_start3A_15 : memref<128xi32, #tpu.memory_space<vmem>>) semaphore(%arg10 : memref<!tpu.dma_semaphore, #tpu.memory_space<semaphore_mem>>)
      %dma_wait3A = arith.constant 0 : i32
      %dma_wait3A_19 = arith.constant 0 : i32
      %dma_wait3A_20 = arith.constant 0 : i32
      %dma_wait3A_21 = arith.constant 0 : i32
      %dma_wait3A_22 = tpu.memref_slice %arg9[%dma_wait3A_19, %dma_wait3A_20, %dma_wait3A_21] : memref<4x128x128xf32, #tpu.memory_space<vmem>> -> memref<1x128x128xf32, #tpu.memory_space<vmem>>
      %dma_wait3A_23 = tpu.memref_squeeze %dma_wait3A_22 : memref<1x128x128xf32, #tpu.memory_space<vmem>> -> memref<128x128xf32, #tpu.memory_space<vmem>>
      %dma_wait3A_24 = arith.constant 0 : i32
      %dma_wait3A_25 = tpu.memref_slice %arg8[%dma_wait3A, %dma_wait3A_24] : memref<2x128xi32, #tpu.memory_space<vmem>> -> memref<1x128xi32, #tpu.memory_space<vmem>>
      %dma_wait3A_26 = tpu.memref_squeeze %dma_wait3A_25 : memref<1x128xi32, #tpu.memory_space<vmem>> -> memref<128xi32, #tpu.memory_space<vmem>>
      %dma_wait3A_27 = arith.constant 0 : i32
      %dma_wait3A_28 = arith.constant 0 : i32
      %dma_wait3A_29 = tpu.memref_slice %arg2[%dma_wait3A_27, %dma_wait3A_28] : memref<273504x128xf32, #tpu.memory_space<hbm>> -> memref<273504x128xf32, #tpu.memory_space<hbm>>
      tpu.wait_indirect_dma semaphore(%arg10 : memref<!tpu.dma_semaphore, #tpu.memory_space<semaphore_mem>>) src(%dma_wait3A_29 : memref<273504x128xf32, #tpu.memory_space<hbm>>) dst(%dma_wait3A_23 : memref<128x128xf32, #tpu.memory_space<vmem>>)
      %dma_start3A_30 = arith.constant 0 : i32
      %dma_start3A_31 = arith.constant 1 : i32
      %dma_start3A_32 = arith.constant 0 : i32
      %dma_start3A_33 = arith.constant 0 : i32
      %dma_start3A_34 = tpu.memref_slice %arg9[%dma_start3A_30, %dma_start3A_32, %dma_start3A_33] : memref<4x128x128xf32, #tpu.memory_space<vmem>> -> memref<1x128x128xf32, #tpu.memory_space<vmem>>
      %dma_start3A_35 = tpu.memref_squeeze %dma_start3A_34 : memref<1x128x128xf32, #tpu.memory_space<vmem>> -> memref<128x128xf32, #tpu.memory_space<vmem>>
      %dma_start3A_36 = arith.constant 0 : i32
      %dma_start3A_37 = tpu.memref_slice %arg8[%dma_start3A_31, %dma_start3A_36] : memref<2x128xi32, #tpu.memory_space<vmem>> -> memref<1x128xi32, #tpu.memory_space<vmem>>
      %dma_start3A_38 = tpu.memref_squeeze %dma_start3A_37 : memref<1x128xi32, #tpu.memory_space<vmem>> -> memref<128xi32, #tpu.memory_space<vmem>>
      %dma_start3A_39 = arith.constant 0 : i32
      %dma_start3A_40 = arith.constant 0 : i32
      %dma_start3A_41 = tpu.memref_slice %arg6[%dma_start3A_39, %dma_start3A_40] : memref<201244x128xf32, #tpu.memory_space<hbm>> -> memref<201244x128xf32, #tpu.memory_space<hbm>>
      tpu.enqueue_indirect_dma source(%dma_start3A_35 : memref<128x128xf32, #tpu.memory_space<vmem>>) target(%dma_start3A_41 : memref<201244x128xf32, #tpu.memory_space<hbm>>) offsets(%dma_start3A_38 : memref<128xi32, #tpu.memory_space<vmem>>) semaphore(%arg11 : memref<!tpu.dma_semaphore, #tpu.memory_space<semaphore_mem>>)
      %dma_wait3A_42 = arith.constant 0 : i32
      %dma_wait3A_43 = arith.constant 1 : i32
      %dma_wait3A_44 = arith.constant 0 : i32
      %dma_wait3A_45 = arith.constant 0 : i32
      %dma_wait3A_46 = tpu.memref_slice %arg9[%dma_wait3A_42, %dma_wait3A_44, %dma_wait3A_45] : memref<4x128x128xf32, #tpu.memory_space<vmem>> -> memref<1x128x128xf32, #tpu.memory_space<vmem>>
      %dma_wait3A_47 = tpu.memref_squeeze %dma_wait3A_46 : memref<1x128x128xf32, #tpu.memory_space<vmem>> -> memref<128x128xf32, #tpu.memory_space<vmem>>
      %dma_wait3A_48 = arith.constant 0 : i32
      %dma_wait3A_49 = tpu.memref_slice %arg8[%dma_wait3A_43, %dma_wait3A_48] : memref<2x128xi32, #tpu.memory_space<vmem>> -> memref<1x128xi32, #tpu.memory_space<vmem>>
      %dma_wait3A_50 = tpu.memref_squeeze %dma_wait3A_49 : memref<1x128xi32, #tpu.memory_space<vmem>> -> memref<128xi32, #tpu.memory_space<vmem>>
      %dma_wait3A_51 = arith.constant 0 : i32
      %dma_wait3A_52 = arith.constant 0 : i32
      %dma_wait3A_53 = tpu.memref_slice %arg6[%dma_wait3A_51, %dma_wait3A_52] : memref<201244x128xf32, #tpu.memory_space<hbm>> -> memref<201244x128xf32, #tpu.memory_space<hbm>>
      tpu.wait_indirect_dma semaphore(%arg11 : memref<!tpu.dma_semaphore, #tpu.memory_space<semaphore_mem>>) src(%dma_wait3A_47 : memref<128x128xf32, #tpu.memory_space<vmem>>) dst(%dma_wait3A_53 : memref<201244x128xf32, #tpu.memory_space<hbm>>)
    } else {
    }
    %scan3A = arith.constant 0 : i32
    %scan3A_3 = arith.constant 0 : i32
    %scan3A_4 = arith.constant 13 : i32
    %scan3A_5 = arith.addi %scan3A_3, %scan3A_4 : i32
    %scan3A_6 = arith.constant 1 : i32
    scf.for %scan3A_8 = %scan3A_3 to %scan3A_5 step %scan3A_6  : i32 {
      %dma_start3A = arith.constant 0 : i32
      %dma_start3A_9 = arith.constant 0 : i32
      %dma_start3A_10 = arith.constant 0 : i32
      %dma_start3A_11 = arith.constant 0 : i32
      %dma_start3A_12 = tpu.memref_slice %arg9[%dma_start3A_9, %dma_start3A_10, %dma_start3A_11] : memref<4x128x128xf32, #tpu.memory_space<vmem>> -> memref<1x128x128xf32, #tpu.memory_space<vmem>>
      %dma_start3A_13 = tpu.memref_squeeze %dma_start3A_12 : memref<1x128x128xf32, #tpu.memory_space<vmem>> -> memref<128x128xf32, #tpu.memory_space<vmem>>
      %dma_start3A_14 = arith.constant 0 : i32
      %dma_start3A_15 = tpu.memref_slice %arg7[%scan3A_8, %dma_start3A, %dma_start3A_14] : memref<13x4x128xi32, #tpu.memory_space<vmem>> -> memref<1x1x128xi32, #tpu.memory_space<vmem>>
      %dma_start3A_16 = tpu.memref_squeeze %dma_start3A_15 : memref<1x1x128xi32, #tpu.memory_space<vmem>> -> memref<128xi32, #tpu.memory_space<vmem>>
      %dma_start3A_17 = arith.constant 0 : i32
      %dma_start3A_18 = arith.constant 0 : i32
      %dma_start3A_19 = tpu.memref_slice %arg2[%dma_start3A_17, %dma_start3A_18] : memref<273504x128xf32, #tpu.memory_space<hbm>> -> memref<273504x128xf32, #tpu.memory_space<hbm>>
      tpu.enqueue_indirect_dma source(%dma_start3A_19 : memref<273504x128xf32, #tpu.memory_space<hbm>>) target(%dma_start3A_13 : memref<128x128xf32, #tpu.memory_space<vmem>>) offsets(%dma_start3A_16 : memref<128xi32, #tpu.memory_space<vmem>>) semaphore(%arg10 : memref<!tpu.dma_semaphore, #tpu.memory_space<semaphore_mem>>)
      %dma_start3A_20 = arith.constant 1 : i32
      %dma_start3A_21 = arith.constant 1 : i32
      %dma_start3A_22 = arith.constant 0 : i32
      %dma_start3A_23 = arith.constant 0 : i32
      %dma_start3A_24 = tpu.memref_slice %arg9[%dma_start3A_21, %dma_start3A_22, %dma_start3A_23] : memref<4x128x128xf32, #tpu.memory_space<vmem>> -> memref<1x128x128xf32, #tpu.memory_space<vmem>>
      %dma_start3A_25 = tpu.memref_squeeze %dma_start3A_24 : memref<1x128x128xf32, #tpu.memory_space<vmem>> -> memref<128x128xf32, #tpu.memory_space<vmem>>
      %dma_start3A_26 = arith.constant 0 : i32
      %dma_start3A_27 = tpu.memref_slice %arg7[%scan3A_8, %dma_start3A_20, %dma_start3A_26] : memref<13x4x128xi32, #tpu.memory_space<vmem>> -> memref<1x1x128xi32, #tpu.memory_space<vmem>>
      %dma_start3A_28 = tpu.memref_squeeze %dma_start3A_27 : memref<1x1x128xi32, #tpu.memory_space<vmem>> -> memref<128xi32, #tpu.memory_space<vmem>>
      %dma_start3A_29 = arith.constant 0 : i32
      %dma_start3A_30 = arith.constant 0 : i32
      %dma_start3A_31 = tpu.memref_slice %arg2[%dma_start3A_29, %dma_start3A_30] : memref<273504x128xf32, #tpu.memory_space<hbm>> -> memref<273504x128xf32, #tpu.memory_space<hbm>>
      tpu.enqueue_indirect_dma source(%dma_start3A_31 : memref<273504x128xf32, #tpu.memory_space<hbm>>) target(%dma_start3A_25 : memref<128x128xf32, #tpu.memory_space<vmem>>) offsets(%dma_start3A_28 : memref<128xi32, #tpu.memory_space<vmem>>) semaphore(%arg10 : memref<!tpu.dma_semaphore, #tpu.memory_space<semaphore_mem>>)
      %dma_start3A_32 = arith.constant 2 : i32
      %dma_start3A_33 = arith.constant 2 : i32
      %dma_start3A_34 = arith.constant 0 : i32
      %dma_start3A_35 = arith.constant 0 : i32
      %dma_start3A_36 = tpu.memref_slice %arg9[%dma_start3A_33, %dma_start3A_34, %dma_start3A_35] : memref<4x128x128xf32, #tpu.memory_space<vmem>> -> memref<1x128x128xf32, #tpu.memory_space<vmem>>
      %dma_start3A_37 = tpu.memref_squeeze %dma_start3A_36 : memref<1x128x128xf32, #tpu.memory_space<vmem>> -> memref<128x128xf32, #tpu.memory_space<vmem>>
      %dma_start3A_38 = arith.constant 0 : i32
      %dma_start3A_39 = tpu.memref_slice %arg7[%scan3A_8, %dma_start3A_32, %dma_start3A_38] : memref<13x4x128xi32, #tpu.memory_space<vmem>> -> memref<1x1x128xi32, #tpu.memory_space<vmem>>
      %dma_start3A_40 = tpu.memref_squeeze %dma_start3A_39 : memref<1x1x128xi32, #tpu.memory_space<vmem>> -> memref<128xi32, #tpu.memory_space<vmem>>
      %dma_start3A_41 = arith.constant 0 : i32
      %dma_start3A_42 = arith.constant 0 : i32
      %dma_start3A_43 = tpu.memref_slice %arg2[%dma_start3A_41, %dma_start3A_42] : memref<273504x128xf32, #tpu.memory_space<hbm>> -> memref<273504x128xf32, #tpu.memory_space<hbm>>
      tpu.enqueue_indirect_dma source(%dma_start3A_43 : memref<273504x128xf32, #tpu.memory_space<hbm>>) target(%dma_start3A_37 : memref<128x128xf32, #tpu.memory_space<vmem>>) offsets(%dma_start3A_40 : memref<128xi32, #tpu.memory_space<vmem>>) semaphore(%arg10 : memref<!tpu.dma_semaphore, #tpu.memory_space<semaphore_mem>>)
      %dma_start3A_44 = arith.constant 3 : i32
      %dma_start3A_45 = arith.constant 3 : i32
      %dma_start3A_46 = arith.constant 0 : i32
      %dma_start3A_47 = arith.constant 0 : i32
      %dma_start3A_48 = tpu.memref_slice %arg9[%dma_start3A_45, %dma_start3A_46, %dma_start3A_47] : memref<4x128x128xf32, #tpu.memory_space<vmem>> -> memref<1x128x128xf32, #tpu.memory_space<vmem>>
      %dma_start3A_49 = tpu.memref_squeeze %dma_start3A_48 : memref<1x128x128xf32, #tpu.memory_space<vmem>> -> memref<128x128xf32, #tpu.memory_space<vmem>>
      %dma_start3A_50 = arith.constant 0 : i32
      %dma_start3A_51 = tpu.memref_slice %arg7[%scan3A_8, %dma_start3A_44, %dma_start3A_50] : memref<13x4x128xi32, #tpu.memory_space<vmem>> -> memref<1x1x128xi32, #tpu.memory_space<vmem>>
      %dma_start3A_52 = tpu.memref_squeeze %dma_start3A_51 : memref<1x1x128xi32, #tpu.memory_space<vmem>> -> memref<128xi32, #tpu.memory_space<vmem>>
      %dma_start3A_53 = arith.constant 0 : i32
      %dma_start3A_54 = arith.constant 0 : i32
      %dma_start3A_55 = tpu.memref_slice %arg2[%dma_start3A_53, %dma_start3A_54] : memref<273504x128xf32, #tpu.memory_space<hbm>> -> memref<273504x128xf32, #tpu.memory_space<hbm>>
      tpu.enqueue_indirect_dma source(%dma_start3A_55 : memref<273504x128xf32, #tpu.memory_space<hbm>>) target(%dma_start3A_49 : memref<128x128xf32, #tpu.memory_space<vmem>>) offsets(%dma_start3A_52 : memref<128xi32, #tpu.memory_space<vmem>>) semaphore(%arg10 : memref<!tpu.dma_semaphore, #tpu.memory_space<semaphore_mem>>)
      %dma_wait3A = arith.constant 0 : i32
      %dma_wait3A_56 = arith.constant 0 : i32
      %dma_wait3A_57 = arith.constant 0 : i32
      %dma_wait3A_58 = arith.constant 0 : i32
      %dma_wait3A_59 = tpu.memref_slice %arg9[%dma_wait3A_56, %dma_wait3A_57, %dma_wait3A_58] : memref<4x128x128xf32, #tpu.memory_space<vmem>> -> memref<1x128x128xf32, #tpu.memory_space<vmem>>
      %dma_wait3A_60 = tpu.memref_squeeze %dma_wait3A_59 : memref<1x128x128xf32, #tpu.memory_space<vmem>> -> memref<128x128xf32, #tpu.memory_space<vmem>>
      %dma_wait3A_61 = arith.constant 0 : i32
      %dma_wait3A_62 = tpu.memref_slice %arg7[%scan3A_8, %dma_wait3A, %dma_wait3A_61] : memref<13x4x128xi32, #tpu.memory_space<vmem>> -> memref<1x1x128xi32, #tpu.memory_space<vmem>>
      %dma_wait3A_63 = tpu.memref_squeeze %dma_wait3A_62 : memref<1x1x128xi32, #tpu.memory_space<vmem>> -> memref<128xi32, #tpu.memory_space<vmem>>
      %dma_wait3A_64 = arith.constant 0 : i32
      %dma_wait3A_65 = arith.constant 0 : i32
      %dma_wait3A_66 = tpu.memref_slice %arg2[%dma_wait3A_64, %dma_wait3A_65] : memref<273504x128xf32, #tpu.memory_space<hbm>> -> memref<273504x128xf32, #tpu.memory_space<hbm>>
      tpu.wait_indirect_dma semaphore(%arg10 : memref<!tpu.dma_semaphore, #tpu.memory_space<semaphore_mem>>) src(%dma_wait3A_66 : memref<273504x128xf32, #tpu.memory_space<hbm>>) dst(%dma_wait3A_60 : memref<128x128xf32, #tpu.memory_space<vmem>>)
      %dma_wait3A_67 = arith.constant 1 : i32
      %dma_wait3A_68 = arith.constant 1 : i32
      %dma_wait3A_69 = arith.constant 0 : i32
      %dma_wait3A_70 = arith.constant 0 : i32
      %dma_wait3A_71 = tpu.memref_slice %arg9[%dma_wait3A_68, %dma_wait3A_69, %dma_wait3A_70] : memref<4x128x128xf32, #tpu.memory_space<vmem>> -> memref<1x128x128xf32, #tpu.memory_space<vmem>>
      %dma_wait3A_72 = tpu.memref_squeeze %dma_wait3A_71 : memref<1x128x128xf32, #tpu.memory_space<vmem>> -> memref<128x128xf32, #tpu.memory_space<vmem>>
      %dma_wait3A_73 = arith.constant 0 : i32
      %dma_wait3A_74 = tpu.memref_slice %arg7[%scan3A_8, %dma_wait3A_67, %dma_wait3A_73] : memref<13x4x128xi32, #tpu.memory_space<vmem>> -> memref<1x1x128xi32, #tpu.memory_space<vmem>>
      %dma_wait3A_75 = tpu.memref_squeeze %dma_wait3A_74 : memref<1x1x128xi32, #tpu.memory_space<vmem>> -> memref<128xi32, #tpu.memory_space<vmem>>
      %dma_wait3A_76 = arith.constant 0 : i32
      %dma_wait3A_77 = arith.constant 0 : i32
      %dma_wait3A_78 = tpu.memref_slice %arg2[%dma_wait3A_76, %dma_wait3A_77] : memref<273504x128xf32, #tpu.memory_space<hbm>> -> memref<273504x128xf32, #tpu.memory_space<hbm>>
      tpu.wait_indirect_dma semaphore(%arg10 : memref<!tpu.dma_semaphore, #tpu.memory_space<semaphore_mem>>) src(%dma_wait3A_78 : memref<273504x128xf32, #tpu.memory_space<hbm>>) dst(%dma_wait3A_72 : memref<128x128xf32, #tpu.memory_space<vmem>>)
      %dma_wait3A_79 = arith.constant 2 : i32
      %dma_wait3A_80 = arith.constant 2 : i32
      %dma_wait3A_81 = arith.constant 0 : i32
      %dma_wait3A_82 = arith.constant 0 : i32
      %dma_wait3A_83 = tpu.memref_slice %arg9[%dma_wait3A_80, %dma_wait3A_81, %dma_wait3A_82] : memref<4x128x128xf32, #tpu.memory_space<vmem>> -> memref<1x128x128xf32, #tpu.memory_space<vmem>>
      %dma_wait3A_84 = tpu.memref_squeeze %dma_wait3A_83 : memref<1x128x128xf32, #tpu.memory_space<vmem>> -> memref<128x128xf32, #tpu.memory_space<vmem>>
      %dma_wait3A_85 = arith.constant 0 : i32
      %dma_wait3A_86 = tpu.memref_slice %arg7[%scan3A_8, %dma_wait3A_79, %dma_wait3A_85] : memref<13x4x128xi32, #tpu.memory_space<vmem>> -> memref<1x1x128xi32, #tpu.memory_space<vmem>>
      %dma_wait3A_87 = tpu.memref_squeeze %dma_wait3A_86 : memref<1x1x128xi32, #tpu.memory_space<vmem>> -> memref<128xi32, #tpu.memory_space<vmem>>
      %dma_wait3A_88 = arith.constant 0 : i32
      %dma_wait3A_89 = arith.constant 0 : i32
      %dma_wait3A_90 = tpu.memref_slice %arg2[%dma_wait3A_88, %dma_wait3A_89] : memref<273504x128xf32, #tpu.memory_space<hbm>> -> memref<273504x128xf32, #tpu.memory_space<hbm>>
      tpu.wait_indirect_dma semaphore(%arg10 : memref<!tpu.dma_semaphore, #tpu.memory_space<semaphore_mem>>) src(%dma_wait3A_90 : memref<273504x128xf32, #tpu.memory_space<hbm>>) dst(%dma_wait3A_84 : memref<128x128xf32, #tpu.memory_space<vmem>>)
      %dma_wait3A_91 = arith.constant 3 : i32
      %dma_wait3A_92 = arith.constant 3 : i32
      %dma_wait3A_93 = arith.constant 0 : i32
      %dma_wait3A_94 = arith.constant 0 : i32
      %dma_wait3A_95 = tpu.memref_slice %arg9[%dma_wait3A_92, %dma_wait3A_93, %dma_wait3A_94] : memref<4x128x128xf32, #tpu.memory_space<vmem>> -> memref<1x128x128xf32, #tpu.memory_space<vmem>>
      %dma_wait3A_96 = tpu.memref_squeeze %dma_wait3A_95 : memref<1x128x128xf32, #tpu.memory_space<vmem>> -> memref<128x128xf32, #tpu.memory_space<vmem>>
      %dma_wait3A_97 = arith.constant 0 : i32
      %dma_wait3A_98 = tpu.memref_slice %arg7[%scan3A_8, %dma_wait3A_91, %dma_wait3A_97] : memref<13x4x128xi32, #tpu.memory_space<vmem>> -> memref<1x1x128xi32, #tpu.memory_space<vmem>>
      %dma_wait3A_99 = tpu.memref_squeeze %dma_wait3A_98 : memref<1x1x128xi32, #tpu.memory_space<vmem>> -> memref<128xi32, #tpu.memory_space<vmem>>
      %dma_wait3A_100 = arith.constant 0 : i32
      %dma_wait3A_101 = arith.constant 0 : i32
      %dma_wait3A_102 = tpu.memref_slice %arg2[%dma_wait3A_100, %dma_wait3A_101] : memref<273504x128xf32, #tpu.memory_space<hbm>> -> memref<273504x128xf32, #tpu.memory_space<hbm>>
      tpu.wait_indirect_dma semaphore(%arg10 : memref<!tpu.dma_semaphore, #tpu.memory_space<semaphore_mem>>) src(%dma_wait3A_102 : memref<273504x128xf32, #tpu.memory_space<hbm>>) dst(%dma_wait3A_96 : memref<128x128xf32, #tpu.memory_space<vmem>>)
      %mul3A_103 = arith.constant 52 : i32
      %mul3A_104 = arith.muli %add3A, %mul3A_103 : i32
      %mul3A_105 = arith.constant 4 : i32
      %mul3A_106 = arith.muli %scan3A_8, %mul3A_105 : i32
      %add3A_107 = arith.addi %mul3A_104, %mul3A_106 : i32
      %add3A_108 = arith.constant 0 : i32
      %add3A_109 = arith.addi %add3A_107, %add3A_108 : i32
      %min3A = arith.constant 1571 : i32
      %min3A_110 = arith.minsi %add3A_109, %min3A : i32
      %mul3A_111 = arith.constant 128 : i32
      %mul3A_112 = arith.muli %min3A_110, %mul3A_111 : i32
      %multiple_of3A = tpu.assume_multiple %mul3A_112, 8 : i32
      %dma_start3A_113 = arith.constant 0 : i32
      %dma_start3A_114 = arith.constant 0 : i32
      %dma_start3A_115 = arith.constant 0 : i32
      %dma_start3A_116 = tpu.memref_slice %arg9[%dma_start3A_113, %dma_start3A_114, %dma_start3A_115] : memref<4x128x128xf32, #tpu.memory_space<vmem>> -> memref<1x128x128xf32, #tpu.memory_space<vmem>>
      %dma_start3A_117 = tpu.memref_squeeze %dma_start3A_116 : memref<1x128x128xf32, #tpu.memory_space<vmem>> -> memref<128x128xf32, #tpu.memory_space<vmem>>
      %dma_start3A_118 = arith.constant 0 : i32
      %dma_start3A_119 = tpu.memref_slice %arg6[%multiple_of3A, %dma_start3A_118] : memref<201244x128xf32, #tpu.memory_space<hbm>> -> memref<128x128xf32, #tpu.memory_space<hbm>>
      %dma_start3A_120 = arith.constant 0 : i32
      %dma_start3A_121 = tpu.memref_slice %arg6[%multiple_of3A, %dma_start3A_120] : memref<201244x128xf32, #tpu.memory_space<hbm>> -> memref<128x128xf32, #tpu.memory_space<hbm>>
      %dma_start3A_122 = arith.constant 0 : i32
      %dma_start3A_123 = arith.constant 0 : i32
      %dma_start3A_124 = tpu.memref_slice %arg9[%dma_start3A_113, %dma_start3A_122, %dma_start3A_123] : memref<4x128x128xf32, #tpu.memory_space<vmem>> -> memref<1x128x128xf32, #tpu.memory_space<vmem>>
      %dma_start3A_125 = tpu.memref_squeeze %dma_start3A_124 : memref<1x128x128xf32, #tpu.memory_space<vmem>> -> memref<128x128xf32, #tpu.memory_space<vmem>>
      tpu.enqueue_dma source(%dma_start3A_125 : memref<128x128xf32, #tpu.memory_space<vmem>>) target(%dma_start3A_121 : memref<128x128xf32, #tpu.memory_space<hbm>>) target_semaphore(%arg11 : memref<!tpu.dma_semaphore, #tpu.memory_space<semaphore_mem>>)
      %mul3A_126 = arith.constant 52 : i32
      %mul3A_127 = arith.muli %add3A, %mul3A_126 : i32
      %mul3A_128 = arith.constant 4 : i32
      %mul3A_129 = arith.muli %scan3A_8, %mul3A_128 : i32
      %add3A_130 = arith.addi %mul3A_127, %mul3A_129 : i32
      %add3A_131 = arith.constant 1 : i32
      %add3A_132 = arith.addi %add3A_130, %add3A_131 : i32
      %min3A_133 = arith.constant 1571 : i32
      %min3A_134 = arith.minsi %add3A_132, %min3A_133 : i32
      %mul3A_135 = arith.constant 128 : i32
      %mul3A_136 = arith.muli %min3A_134, %mul3A_135 : i32
      %multiple_of3A_137 = tpu.assume_multiple %mul3A_136, 8 : i32
      %dma_start3A_138 = arith.constant 1 : i32
      %dma_start3A_139 = arith.constant 0 : i32
      %dma_start3A_140 = arith.constant 0 : i32
      %dma_start3A_141 = tpu.memref_slice %arg9[%dma_start3A_138, %dma_start3A_139, %dma_start3A_140] : memref<4x128x128xf32, #tpu.memory_space<vmem>> -> memref<1x128x128xf32, #tpu.memory_space<vmem>>
      %dma_start3A_142 = tpu.memref_squeeze %dma_start3A_141 : memref<1x128x128xf32, #tpu.memory_space<vmem>> -> memref<128x128xf32, #tpu.memory_space<vmem>>
      %dma_start3A_143 = arith.constant 0 : i32
      %dma_start3A_144 = tpu.memref_slice %arg6[%multiple_of3A_137, %dma_start3A_143] : memref<201244x128xf32, #tpu.memory_space<hbm>> -> memref<128x128xf32, #tpu.memory_space<hbm>>
      %dma_start3A_145 = arith.constant 0 : i32
      %dma_start3A_146 = tpu.memref_slice %arg6[%multiple_of3A_137, %dma_start3A_145] : memref<201244x128xf32, #tpu.memory_space<hbm>> -> memref<128x128xf32, #tpu.memory_space<hbm>>
      %dma_start3A_147 = arith.constant 0 : i32
      %dma_start3A_148 = arith.constant 0 : i32
      %dma_start3A_149 = tpu.memref_slice %arg9[%dma_start3A_138, %dma_start3A_147, %dma_start3A_148] : memref<4x128x128xf32, #tpu.memory_space<vmem>> -> memref<1x128x128xf32, #tpu.memory_space<vmem>>
      %dma_start3A_150 = tpu.memref_squeeze %dma_start3A_149 : memref<1x128x128xf32, #tpu.memory_space<vmem>> -> memref<128x128xf32, #tpu.memory_space<vmem>>
      tpu.enqueue_dma source(%dma_start3A_150 : memref<128x128xf32, #tpu.memory_space<vmem>>) target(%dma_start3A_146 : memref<128x128xf32, #tpu.memory_space<hbm>>) target_semaphore(%arg11 : memref<!tpu.dma_semaphore, #tpu.memory_space<semaphore_mem>>)
      %mul3A_151 = arith.constant 52 : i32
      %mul3A_152 = arith.muli %add3A, %mul3A_151 : i32
      %mul3A_153 = arith.constant 4 : i32
      %mul3A_154 = arith.muli %scan3A_8, %mul3A_153 : i32
      %add3A_155 = arith.addi %mul3A_152, %mul3A_154 : i32
      %add3A_156 = arith.constant 2 : i32
      %add3A_157 = arith.addi %add3A_155, %add3A_156 : i32
      %min3A_158 = arith.constant 1571 : i32
      %min3A_159 = arith.minsi %add3A_157, %min3A_158 : i32
      %mul3A_160 = arith.constant 128 : i32
      %mul3A_161 = arith.muli %min3A_159, %mul3A_160 : i32
      %multiple_of3A_162 = tpu.assume_multiple %mul3A_161, 8 : i32
      %dma_start3A_163 = arith.constant 2 : i32
      %dma_start3A_164 = arith.constant 0 : i32
      %dma_start3A_165 = arith.constant 0 : i32
      %dma_start3A_166 = tpu.memref_slice %arg9[%dma_start3A_163, %dma_start3A_164, %dma_start3A_165] : memref<4x128x128xf32, #tpu.memory_space<vmem>> -> memref<1x128x128xf32, #tpu.memory_space<vmem>>
      %dma_start3A_167 = tpu.memref_squeeze %dma_start3A_166 : memref<1x128x128xf32, #tpu.memory_space<vmem>> -> memref<128x128xf32, #tpu.memory_space<vmem>>
      %dma_start3A_168 = arith.constant 0 : i32
      %dma_start3A_169 = tpu.memref_slice %arg6[%multiple_of3A_162, %dma_start3A_168] : memref<201244x128xf32, #tpu.memory_space<hbm>> -> memref<128x128xf32, #tpu.memory_space<hbm>>
      %dma_start3A_170 = arith.constant 0 : i32
      %dma_start3A_171 = tpu.memref_slice %arg6[%multiple_of3A_162, %dma_start3A_170] : memref<201244x128xf32, #tpu.memory_space<hbm>> -> memref<128x128xf32, #tpu.memory_space<hbm>>
      %dma_start3A_172 = arith.constant 0 : i32
      %dma_start3A_173 = arith.constant 0 : i32
      %dma_start3A_174 = tpu.memref_slice %arg9[%dma_start3A_163, %dma_start3A_172, %dma_start3A_173] : memref<4x128x128xf32, #tpu.memory_space<vmem>> -> memref<1x128x128xf32, #tpu.memory_space<vmem>>
      %dma_start3A_175 = tpu.memref_squeeze %dma_start3A_174 : memref<1x128x128xf32, #tpu.memory_space<vmem>> -> memref<128x128xf32, #tpu.memory_space<vmem>>
      tpu.enqueue_dma source(%dma_start3A_175 : memref<128x128xf32, #tpu.memory_space<vmem>>) target(%dma_start3A_171 : memref<128x128xf32, #tpu.memory_space<hbm>>) target_semaphore(%arg11 : memref<!tpu.dma_semaphore, #tpu.memory_space<semaphore_mem>>)
      %mul3A_176 = arith.constant 52 : i32
      %mul3A_177 = arith.muli %add3A, %mul3A_176 : i32
      %mul3A_178 = arith.constant 4 : i32
      %mul3A_179 = arith.muli %scan3A_8, %mul3A_178 : i32
      %add3A_180 = arith.addi %mul3A_177, %mul3A_179 : i32
      %add3A_181 = arith.constant 3 : i32
      %add3A_182 = arith.addi %add3A_180, %add3A_181 : i32
      %min3A_183 = arith.constant 1571 : i32
      %min3A_184 = arith.minsi %add3A_182, %min3A_183 : i32
      %mul3A_185 = arith.constant 128 : i32
      %mul3A_186 = arith.muli %min3A_184, %mul3A_185 : i32
      %multiple_of3A_187 = tpu.assume_multiple %mul3A_186, 8 : i32
      %dma_start3A_188 = arith.constant 3 : i32
      %dma_start3A_189 = arith.constant 0 : i32
      %dma_start3A_190 = arith.constant 0 : i32
      %dma_start3A_191 = tpu.memref_slice %arg9[%dma_start3A_188, %dma_start3A_189, %dma_start3A_190] : memref<4x128x128xf32, #tpu.memory_space<vmem>> -> memref<1x128x128xf32, #tpu.memory_space<vmem>>
      %dma_start3A_192 = tpu.memref_squeeze %dma_start3A_191 : memref<1x128x128xf32, #tpu.memory_space<vmem>> -> memref<128x128xf32, #tpu.memory_space<vmem>>
      %dma_start3A_193 = arith.constant 0 : i32
      %dma_start3A_194 = tpu.memref_slice %arg6[%multiple_of3A_187, %dma_start3A_193] : memref<201244x128xf32, #tpu.memory_space<hbm>> -> memref<128x128xf32, #tpu.memory_space<hbm>>
      %dma_start3A_195 = arith.constant 0 : i32
      %dma_start3A_196 = tpu.memref_slice %arg6[%multiple_of3A_187, %dma_start3A_195] : memref<201244x128xf32, #tpu.memory_space<hbm>> -> memref<128x128xf32, #tpu.memory_space<hbm>>
      %dma_start3A_197 = arith.constant 0 : i32
      %dma_start3A_198 = arith.constant 0 : i32
      %dma_start3A_199 = tpu.memref_slice %arg9[%dma_start3A_188, %dma_start3A_197, %dma_start3A_198] : memref<4x128x128xf32, #tpu.memory_space<vmem>> -> memref<1x128x128xf32, #tpu.memory_space<vmem>>
      %dma_start3A_200 = tpu.memref_squeeze %dma_start3A_199 : memref<1x128x128xf32, #tpu.memory_space<vmem>> -> memref<128x128xf32, #tpu.memory_space<vmem>>
      tpu.enqueue_dma source(%dma_start3A_200 : memref<128x128xf32, #tpu.memory_space<vmem>>) target(%dma_start3A_196 : memref<128x128xf32, #tpu.memory_space<hbm>>) target_semaphore(%arg11 : memref<!tpu.dma_semaphore, #tpu.memory_space<semaphore_mem>>)
      %dma_wait3A_201 = arith.constant 0 : i32
      %dma_wait3A_202 = arith.constant 0 : i32
      %dma_wait3A_203 = arith.constant 0 : i32
      %dma_wait3A_204 = tpu.memref_slice %arg9[%dma_wait3A_201, %dma_wait3A_202, %dma_wait3A_203] : memref<4x128x128xf32, #tpu.memory_space<vmem>> -> memref<1x128x128xf32, #tpu.memory_space<vmem>>
      %dma_wait3A_205 = tpu.memref_squeeze %dma_wait3A_204 : memref<1x128x128xf32, #tpu.memory_space<vmem>> -> memref<128x128xf32, #tpu.memory_space<vmem>>
      %dma_wait3A_206 = arith.constant 0 : i32
      %dma_wait3A_207 = tpu.memref_slice %arg6[%multiple_of3A, %dma_wait3A_206] : memref<201244x128xf32, #tpu.memory_space<hbm>> -> memref<128x128xf32, #tpu.memory_space<hbm>>
      %dma_wait3A_208 = arith.constant 0 : i32
      %dma_wait3A_209 = tpu.memref_slice %arg6[%multiple_of3A, %dma_wait3A_208] : memref<201244x128xf32, #tpu.memory_space<hbm>> -> memref<128x128xf32, #tpu.memory_space<hbm>>
      %dma_wait3A_210 = arith.constant 0 : i32
      %dma_wait3A_211 = arith.constant 0 : i32
      %dma_wait3A_212 = tpu.memref_slice %arg9[%dma_wait3A_201, %dma_wait3A_210, %dma_wait3A_211] : memref<4x128x128xf32, #tpu.memory_space<vmem>> -> memref<1x128x128xf32, #tpu.memory_space<vmem>>
      %dma_wait3A_213 = tpu.memref_squeeze %dma_wait3A_212 : memref<1x128x128xf32, #tpu.memory_space<vmem>> -> memref<128x128xf32, #tpu.memory_space<vmem>>
      tpu.wait_dma2 semaphore(%arg11 : memref<!tpu.dma_semaphore, #tpu.memory_space<semaphore_mem>>) src(%dma_wait3A_213 : memref<128x128xf32, #tpu.memory_space<vmem>>) dst(%dma_wait3A_209 : memref<128x128xf32, #tpu.memory_space<hbm>>)
      %dma_wait3A_214 = arith.constant 1 : i32
      %dma_wait3A_215 = arith.constant 0 : i32
      %dma_wait3A_216 = arith.constant 0 : i32
      %dma_wait3A_217 = tpu.memref_slice %arg9[%dma_wait3A_214, %dma_wait3A_215, %dma_wait3A_216] : memref<4x128x128xf32, #tpu.memory_space<vmem>> -> memref<1x128x128xf32, #tpu.memory_space<vmem>>
      %dma_wait3A_218 = tpu.memref_squeeze %dma_wait3A_217 : memref<1x128x128xf32, #tpu.memory_space<vmem>> -> memref<128x128xf32, #tpu.memory_space<vmem>>
      %dma_wait3A_219 = arith.constant 0 : i32
      %dma_wait3A_220 = tpu.memref_slice %arg6[%multiple_of3A_137, %dma_wait3A_219] : memref<201244x128xf32, #tpu.memory_space<hbm>> -> memref<128x128xf32, #tpu.memory_space<hbm>>
      %dma_wait3A_221 = arith.constant 0 : i32
      %dma_wait3A_222 = tpu.memref_slice %arg6[%multiple_of3A_137, %dma_wait3A_221] : memref<201244x128xf32, #tpu.memory_space<hbm>> -> memref<128x128xf32, #tpu.memory_space<hbm>>
      %dma_wait3A_223 = arith.constant 0 : i32
      %dma_wait3A_224 = arith.constant 0 : i32
      %dma_wait3A_225 = tpu.memref_slice %arg9[%dma_wait3A_214, %dma_wait3A_223, %dma_wait3A_224] : memref<4x128x128xf32, #tpu.memory_space<vmem>> -> memref<1x128x128xf32, #tpu.memory_space<vmem>>
      %dma_wait3A_226 = tpu.memref_squeeze %dma_wait3A_225 : memref<1x128x128xf32, #tpu.memory_space<vmem>> -> memref<128x128xf32, #tpu.memory_space<vmem>>
      tpu.wait_dma2 semaphore(%arg11 : memref<!tpu.dma_semaphore, #tpu.memory_space<semaphore_mem>>) src(%dma_wait3A_226 : memref<128x128xf32, #tpu.memory_space<vmem>>) dst(%dma_wait3A_222 : memref<128x128xf32, #tpu.memory_space<hbm>>)
      %dma_wait3A_227 = arith.constant 2 : i32
      %dma_wait3A_228 = arith.constant 0 : i32
      %dma_wait3A_229 = arith.constant 0 : i32
      %dma_wait3A_230 = tpu.memref_slice %arg9[%dma_wait3A_227, %dma_wait3A_228, %dma_wait3A_229] : memref<4x128x128xf32, #tpu.memory_space<vmem>> -> memref<1x128x128xf32, #tpu.memory_space<vmem>>
      %dma_wait3A_231 = tpu.memref_squeeze %dma_wait3A_230 : memref<1x128x128xf32, #tpu.memory_space<vmem>> -> memref<128x128xf32, #tpu.memory_space<vmem>>
      %dma_wait3A_232 = arith.constant 0 : i32
      %dma_wait3A_233 = tpu.memref_slice %arg6[%multiple_of3A_162, %dma_wait3A_232] : memref<201244x128xf32, #tpu.memory_space<hbm>> -> memref<128x128xf32, #tpu.memory_space<hbm>>
      %dma_wait3A_234 = arith.constant 0 : i32
      %dma_wait3A_235 = tpu.memref_slice %arg6[%multiple_of3A_162, %dma_wait3A_234] : memref<201244x128xf32, #tpu.memory_space<hbm>> -> memref<128x128xf32, #tpu.memory_space<hbm>>
      %dma_wait3A_236 = arith.constant 0 : i32
      %dma_wait3A_237 = arith.constant 0 : i32
      %dma_wait3A_238 = tpu.memref_slice %arg9[%dma_wait3A_227, %dma_wait3A_236, %dma_wait3A_237] : memref<4x128x128xf32, #tpu.memory_space<vmem>> -> memref<1x128x128xf32, #tpu.memory_space<vmem>>
      %dma_wait3A_239 = tpu.memref_squeeze %dma_wait3A_238 : memref<1x128x128xf32, #tpu.memory_space<vmem>> -> memref<128x128xf32, #tpu.memory_space<vmem>>
      tpu.wait_dma2 semaphore(%arg11 : memref<!tpu.dma_semaphore, #tpu.memory_space<semaphore_mem>>) src(%dma_wait3A_239 : memref<128x128xf32, #tpu.memory_space<vmem>>) dst(%dma_wait3A_235 : memref<128x128xf32, #tpu.memory_space<hbm>>)
      %dma_wait3A_240 = arith.constant 3 : i32
      %dma_wait3A_241 = arith.constant 0 : i32
      %dma_wait3A_242 = arith.constant 0 : i32
      %dma_wait3A_243 = tpu.memref_slice %arg9[%dma_wait3A_240, %dma_wait3A_241, %dma_wait3A_242] : memref<4x128x128xf32, #tpu.memory_space<vmem>> -> memref<1x128x128xf32, #tpu.memory_space<vmem>>
      %dma_wait3A_244 = tpu.memref_squeeze %dma_wait3A_243 : memref<1x128x128xf32, #tpu.memory_space<vmem>> -> memref<128x128xf32, #tpu.memory_space<vmem>>
      %dma_wait3A_245 = arith.constant 0 : i32
      %dma_wait3A_246 = tpu.memref_slice %arg6[%multiple_of3A_187, %dma_wait3A_245] : memref<201244x128xf32, #tpu.memory_space<hbm>> -> memref<128x128xf32, #tpu.memory_space<hbm>>
      %dma_wait3A_247 = arith.constant 0 : i32
      %dma_wait3A_248 = tpu.memref_slice %arg6[%multiple_of3A_187, %dma_wait3A_247] : memref<201244x128xf32, #tpu.memory_space<hbm>> -> memref<128x128xf32, #tpu.memory_space<hbm>>
      %dma_wait3A_249 = arith.constant 0 : i32
      %dma_wait3A_250 = arith.constant 0 : i32
      %dma_wait3A_251 = tpu.memref_slice %arg9[%dma_wait3A_240, %dma_wait3A_249, %dma_wait3A_250] : memref<4x128x128xf32, #tpu.memory_space<vmem>> -> memref<1x128x128xf32, #tpu.memory_space<vmem>>
      %dma_wait3A_252 = tpu.memref_squeeze %dma_wait3A_251 : memref<1x128x128xf32, #tpu.memory_space<vmem>> -> memref<128x128xf32, #tpu.memory_space<vmem>>
      tpu.wait_dma2 semaphore(%arg11 : memref<!tpu.dma_semaphore, #tpu.memory_space<semaphore_mem>>) src(%dma_wait3A_252 : memref<128x128xf32, #tpu.memory_space<vmem>>) dst(%dma_wait3A_248 : memref<128x128xf32, #tpu.memory_space<hbm>>)
    }
    %scan3A_7 = arith.constant 13 : i32
    return
  }
}

#map = affine_map<(d0, d1) -> (0, 0)>
#map1 = affine_map<(d0, d1) -> (0, 0, 0, 0)>
module attributes {stable_mosaic.version = 14 : i64} {
  func.func @k(%arg0: i32, %arg1: i32, %arg2: memref<201372x128xf32, #tpu.memory_space<hbm>>, %arg3: memref<32x17x4x128xi32, #tpu.memory_space<hbm>>, %arg4: memref<288288x128xf32, #tpu.memory_space<hbm>>, %arg5: memref<17x4x128xi32, #tpu.memory_space<vmem>>, %arg6: memref<4x128x128xf32, #tpu.memory_space<vmem>>, %arg7: memref<!tpu.dma_semaphore, #tpu.memory_space<semaphore_mem>>, %arg8: memref<!tpu.dma_semaphore, #tpu.memory_space<semaphore_mem>>) attributes {dimension_semantics = [#tpu.dimension_semantics<core_parallel>, #tpu.dimension_semantics<subcore_parallel>], iteration_bounds = array<i64: 2, 16>, scalar_prefetch = 0 : i64, scratch_operands = 4 : i64, tpu.core_type = #tpu.core_type<sc_vector_subcore>, window_params = [{transform_indices = #map}, {transform_indices = #map1}, {transform_indices = #map}]} {
    %mul3A = arith.constant 2 : i32
    %mul3A_0 = arith.muli %arg1, %mul3A : i32
    %add3A = arith.addi %mul3A_0, %arg0 : i32
    "tpu.region"() ({
      %run_scoped3A = tpu.sem_alloc : memref<!tpu.dma_semaphore, #tpu.memory_space<semaphore_mem>>
      %dma_start3A = arith.constant 0 : i32
      %dma_start3A_6 = arith.constant 0 : i32
      %dma_start3A_7 = arith.constant 0 : i32
      %dma_start3A_8 = tpu.memref_slice %arg3[%add3A, %dma_start3A, %dma_start3A_6, %dma_start3A_7] : memref<32x17x4x128xi32, #tpu.memory_space<hbm>> -> memref<1x17x4x128xi32, #tpu.memory_space<hbm>>
      %dma_start3A_9 = tpu.memref_squeeze %dma_start3A_8 : memref<1x17x4x128xi32, #tpu.memory_space<hbm>> -> memref<17x4x128xi32, #tpu.memory_space<hbm>>
      %dma_start3A_10 = arith.constant 0 : i32
      %dma_start3A_11 = arith.constant 0 : i32
      %dma_start3A_12 = arith.constant 0 : i32
      %dma_start3A_13 = tpu.memref_slice %arg3[%add3A, %dma_start3A_10, %dma_start3A_11, %dma_start3A_12] : memref<32x17x4x128xi32, #tpu.memory_space<hbm>> -> memref<1x17x4x128xi32, #tpu.memory_space<hbm>>
      %dma_start3A_14 = tpu.memref_squeeze %dma_start3A_13 : memref<1x17x4x128xi32, #tpu.memory_space<hbm>> -> memref<17x4x128xi32, #tpu.memory_space<hbm>>
      tpu.enqueue_dma source(%dma_start3A_14 : memref<17x4x128xi32, #tpu.memory_space<hbm>>) target(%arg5 : memref<17x4x128xi32, #tpu.memory_space<vmem>>) target_semaphore(%run_scoped3A : memref<!tpu.dma_semaphore, #tpu.memory_space<semaphore_mem>>)
      %dma_wait3A = arith.constant 0 : i32
      %dma_wait3A_15 = arith.constant 0 : i32
      %dma_wait3A_16 = arith.constant 0 : i32
      %dma_wait3A_17 = tpu.memref_slice %arg3[%add3A, %dma_wait3A, %dma_wait3A_15, %dma_wait3A_16] : memref<32x17x4x128xi32, #tpu.memory_space<hbm>> -> memref<1x17x4x128xi32, #tpu.memory_space<hbm>>
      %dma_wait3A_18 = tpu.memref_squeeze %dma_wait3A_17 : memref<1x17x4x128xi32, #tpu.memory_space<hbm>> -> memref<17x4x128xi32, #tpu.memory_space<hbm>>
      %dma_wait3A_19 = arith.constant 0 : i32
      %dma_wait3A_20 = arith.constant 0 : i32
      %dma_wait3A_21 = arith.constant 0 : i32
      %dma_wait3A_22 = tpu.memref_slice %arg3[%add3A, %dma_wait3A_19, %dma_wait3A_20, %dma_wait3A_21] : memref<32x17x4x128xi32, #tpu.memory_space<hbm>> -> memref<1x17x4x128xi32, #tpu.memory_space<hbm>>
      %dma_wait3A_23 = tpu.memref_squeeze %dma_wait3A_22 : memref<1x17x4x128xi32, #tpu.memory_space<hbm>> -> memref<17x4x128xi32, #tpu.memory_space<hbm>>
      tpu.wait_dma2 semaphore(%run_scoped3A : memref<!tpu.dma_semaphore, #tpu.memory_space<semaphore_mem>>) src(%dma_wait3A_23 : memref<17x4x128xi32, #tpu.memory_space<hbm>>) dst(%arg5 : memref<17x4x128xi32, #tpu.memory_space<vmem>>)
      tpu.yield
    }) : () -> ()
    %scan3A = arith.constant 0 : i32
    %scan3A_1 = arith.constant 0 : i32
    %scan3A_2 = arith.constant 17 : i32
    %scan3A_3 = arith.addi %scan3A_1, %scan3A_2 : i32
    %scan3A_4 = arith.constant 1 : i32
    scf.for %scan3A_6 = %scan3A_1 to %scan3A_3 step %scan3A_4  : i32 {
      %dma_start3A = arith.constant 0 : i32
      %dma_start3A_7 = arith.constant 0 : i32
      %dma_start3A_8 = arith.constant 0 : i32
      %dma_start3A_9 = arith.constant 0 : i32
      %dma_start3A_10 = tpu.memref_slice %arg6[%dma_start3A_7, %dma_start3A_8, %dma_start3A_9] : memref<4x128x128xf32, #tpu.memory_space<vmem>> -> memref<1x128x128xf32, #tpu.memory_space<vmem>>
      %dma_start3A_11 = tpu.memref_squeeze %dma_start3A_10 : memref<1x128x128xf32, #tpu.memory_space<vmem>> -> memref<128x128xf32, #tpu.memory_space<vmem>>
      %dma_start3A_12 = arith.constant 0 : i32
      %dma_start3A_13 = tpu.memref_slice %arg5[%scan3A_6, %dma_start3A, %dma_start3A_12] : memref<17x4x128xi32, #tpu.memory_space<vmem>> -> memref<1x1x128xi32, #tpu.memory_space<vmem>>
      %dma_start3A_14 = tpu.memref_squeeze %dma_start3A_13 : memref<1x1x128xi32, #tpu.memory_space<vmem>> -> memref<128xi32, #tpu.memory_space<vmem>>
      %dma_start3A_15 = arith.constant 0 : i32
      %dma_start3A_16 = arith.constant 0 : i32
      %dma_start3A_17 = tpu.memref_slice %arg2[%dma_start3A_15, %dma_start3A_16] : memref<201372x128xf32, #tpu.memory_space<hbm>> -> memref<201372x128xf32, #tpu.memory_space<hbm>>
      tpu.enqueue_indirect_dma source(%dma_start3A_17 : memref<201372x128xf32, #tpu.memory_space<hbm>>) target(%dma_start3A_11 : memref<128x128xf32, #tpu.memory_space<vmem>>) offsets(%dma_start3A_14 : memref<128xi32, #tpu.memory_space<vmem>>) semaphore(%arg7 : memref<!tpu.dma_semaphore, #tpu.memory_space<semaphore_mem>>)
      %dma_start3A_18 = arith.constant 1 : i32
      %dma_start3A_19 = arith.constant 1 : i32
      %dma_start3A_20 = arith.constant 0 : i32
      %dma_start3A_21 = arith.constant 0 : i32
      %dma_start3A_22 = tpu.memref_slice %arg6[%dma_start3A_19, %dma_start3A_20, %dma_start3A_21] : memref<4x128x128xf32, #tpu.memory_space<vmem>> -> memref<1x128x128xf32, #tpu.memory_space<vmem>>
      %dma_start3A_23 = tpu.memref_squeeze %dma_start3A_22 : memref<1x128x128xf32, #tpu.memory_space<vmem>> -> memref<128x128xf32, #tpu.memory_space<vmem>>
      %dma_start3A_24 = arith.constant 0 : i32
      %dma_start3A_25 = tpu.memref_slice %arg5[%scan3A_6, %dma_start3A_18, %dma_start3A_24] : memref<17x4x128xi32, #tpu.memory_space<vmem>> -> memref<1x1x128xi32, #tpu.memory_space<vmem>>
      %dma_start3A_26 = tpu.memref_squeeze %dma_start3A_25 : memref<1x1x128xi32, #tpu.memory_space<vmem>> -> memref<128xi32, #tpu.memory_space<vmem>>
      %dma_start3A_27 = arith.constant 0 : i32
      %dma_start3A_28 = arith.constant 0 : i32
      %dma_start3A_29 = tpu.memref_slice %arg2[%dma_start3A_27, %dma_start3A_28] : memref<201372x128xf32, #tpu.memory_space<hbm>> -> memref<201372x128xf32, #tpu.memory_space<hbm>>
      tpu.enqueue_indirect_dma source(%dma_start3A_29 : memref<201372x128xf32, #tpu.memory_space<hbm>>) target(%dma_start3A_23 : memref<128x128xf32, #tpu.memory_space<vmem>>) offsets(%dma_start3A_26 : memref<128xi32, #tpu.memory_space<vmem>>) semaphore(%arg7 : memref<!tpu.dma_semaphore, #tpu.memory_space<semaphore_mem>>)
      %dma_start3A_30 = arith.constant 2 : i32
      %dma_start3A_31 = arith.constant 2 : i32
      %dma_start3A_32 = arith.constant 0 : i32
      %dma_start3A_33 = arith.constant 0 : i32
      %dma_start3A_34 = tpu.memref_slice %arg6[%dma_start3A_31, %dma_start3A_32, %dma_start3A_33] : memref<4x128x128xf32, #tpu.memory_space<vmem>> -> memref<1x128x128xf32, #tpu.memory_space<vmem>>
      %dma_start3A_35 = tpu.memref_squeeze %dma_start3A_34 : memref<1x128x128xf32, #tpu.memory_space<vmem>> -> memref<128x128xf32, #tpu.memory_space<vmem>>
      %dma_start3A_36 = arith.constant 0 : i32
      %dma_start3A_37 = tpu.memref_slice %arg5[%scan3A_6, %dma_start3A_30, %dma_start3A_36] : memref<17x4x128xi32, #tpu.memory_space<vmem>> -> memref<1x1x128xi32, #tpu.memory_space<vmem>>
      %dma_start3A_38 = tpu.memref_squeeze %dma_start3A_37 : memref<1x1x128xi32, #tpu.memory_space<vmem>> -> memref<128xi32, #tpu.memory_space<vmem>>
      %dma_start3A_39 = arith.constant 0 : i32
      %dma_start3A_40 = arith.constant 0 : i32
      %dma_start3A_41 = tpu.memref_slice %arg2[%dma_start3A_39, %dma_start3A_40] : memref<201372x128xf32, #tpu.memory_space<hbm>> -> memref<201372x128xf32, #tpu.memory_space<hbm>>
      tpu.enqueue_indirect_dma source(%dma_start3A_41 : memref<201372x128xf32, #tpu.memory_space<hbm>>) target(%dma_start3A_35 : memref<128x128xf32, #tpu.memory_space<vmem>>) offsets(%dma_start3A_38 : memref<128xi32, #tpu.memory_space<vmem>>) semaphore(%arg7 : memref<!tpu.dma_semaphore, #tpu.memory_space<semaphore_mem>>)
      %dma_start3A_42 = arith.constant 3 : i32
      %dma_start3A_43 = arith.constant 3 : i32
      %dma_start3A_44 = arith.constant 0 : i32
      %dma_start3A_45 = arith.constant 0 : i32
      %dma_start3A_46 = tpu.memref_slice %arg6[%dma_start3A_43, %dma_start3A_44, %dma_start3A_45] : memref<4x128x128xf32, #tpu.memory_space<vmem>> -> memref<1x128x128xf32, #tpu.memory_space<vmem>>
      %dma_start3A_47 = tpu.memref_squeeze %dma_start3A_46 : memref<1x128x128xf32, #tpu.memory_space<vmem>> -> memref<128x128xf32, #tpu.memory_space<vmem>>
      %dma_start3A_48 = arith.constant 0 : i32
      %dma_start3A_49 = tpu.memref_slice %arg5[%scan3A_6, %dma_start3A_42, %dma_start3A_48] : memref<17x4x128xi32, #tpu.memory_space<vmem>> -> memref<1x1x128xi32, #tpu.memory_space<vmem>>
      %dma_start3A_50 = tpu.memref_squeeze %dma_start3A_49 : memref<1x1x128xi32, #tpu.memory_space<vmem>> -> memref<128xi32, #tpu.memory_space<vmem>>
      %dma_start3A_51 = arith.constant 0 : i32
      %dma_start3A_52 = arith.constant 0 : i32
      %dma_start3A_53 = tpu.memref_slice %arg2[%dma_start3A_51, %dma_start3A_52] : memref<201372x128xf32, #tpu.memory_space<hbm>> -> memref<201372x128xf32, #tpu.memory_space<hbm>>
      tpu.enqueue_indirect_dma source(%dma_start3A_53 : memref<201372x128xf32, #tpu.memory_space<hbm>>) target(%dma_start3A_47 : memref<128x128xf32, #tpu.memory_space<vmem>>) offsets(%dma_start3A_50 : memref<128xi32, #tpu.memory_space<vmem>>) semaphore(%arg7 : memref<!tpu.dma_semaphore, #tpu.memory_space<semaphore_mem>>)
      %dma_wait3A = arith.constant 0 : i32
      %dma_wait3A_54 = arith.constant 0 : i32
      %dma_wait3A_55 = arith.constant 0 : i32
      %dma_wait3A_56 = arith.constant 0 : i32
      %dma_wait3A_57 = tpu.memref_slice %arg6[%dma_wait3A_54, %dma_wait3A_55, %dma_wait3A_56] : memref<4x128x128xf32, #tpu.memory_space<vmem>> -> memref<1x128x128xf32, #tpu.memory_space<vmem>>
      %dma_wait3A_58 = tpu.memref_squeeze %dma_wait3A_57 : memref<1x128x128xf32, #tpu.memory_space<vmem>> -> memref<128x128xf32, #tpu.memory_space<vmem>>
      %dma_wait3A_59 = arith.constant 0 : i32
      %dma_wait3A_60 = tpu.memref_slice %arg5[%scan3A_6, %dma_wait3A, %dma_wait3A_59] : memref<17x4x128xi32, #tpu.memory_space<vmem>> -> memref<1x1x128xi32, #tpu.memory_space<vmem>>
      %dma_wait3A_61 = tpu.memref_squeeze %dma_wait3A_60 : memref<1x1x128xi32, #tpu.memory_space<vmem>> -> memref<128xi32, #tpu.memory_space<vmem>>
      %dma_wait3A_62 = arith.constant 0 : i32
      %dma_wait3A_63 = arith.constant 0 : i32
      %dma_wait3A_64 = tpu.memref_slice %arg2[%dma_wait3A_62, %dma_wait3A_63] : memref<201372x128xf32, #tpu.memory_space<hbm>> -> memref<201372x128xf32, #tpu.memory_space<hbm>>
      tpu.wait_indirect_dma semaphore(%arg7 : memref<!tpu.dma_semaphore, #tpu.memory_space<semaphore_mem>>) src(%dma_wait3A_64 : memref<201372x128xf32, #tpu.memory_space<hbm>>) dst(%dma_wait3A_58 : memref<128x128xf32, #tpu.memory_space<vmem>>)
      %dma_wait3A_65 = arith.constant 1 : i32
      %dma_wait3A_66 = arith.constant 1 : i32
      %dma_wait3A_67 = arith.constant 0 : i32
      %dma_wait3A_68 = arith.constant 0 : i32
      %dma_wait3A_69 = tpu.memref_slice %arg6[%dma_wait3A_66, %dma_wait3A_67, %dma_wait3A_68] : memref<4x128x128xf32, #tpu.memory_space<vmem>> -> memref<1x128x128xf32, #tpu.memory_space<vmem>>
      %dma_wait3A_70 = tpu.memref_squeeze %dma_wait3A_69 : memref<1x128x128xf32, #tpu.memory_space<vmem>> -> memref<128x128xf32, #tpu.memory_space<vmem>>
      %dma_wait3A_71 = arith.constant 0 : i32
      %dma_wait3A_72 = tpu.memref_slice %arg5[%scan3A_6, %dma_wait3A_65, %dma_wait3A_71] : memref<17x4x128xi32, #tpu.memory_space<vmem>> -> memref<1x1x128xi32, #tpu.memory_space<vmem>>
      %dma_wait3A_73 = tpu.memref_squeeze %dma_wait3A_72 : memref<1x1x128xi32, #tpu.memory_space<vmem>> -> memref<128xi32, #tpu.memory_space<vmem>>
      %dma_wait3A_74 = arith.constant 0 : i32
      %dma_wait3A_75 = arith.constant 0 : i32
      %dma_wait3A_76 = tpu.memref_slice %arg2[%dma_wait3A_74, %dma_wait3A_75] : memref<201372x128xf32, #tpu.memory_space<hbm>> -> memref<201372x128xf32, #tpu.memory_space<hbm>>
      tpu.wait_indirect_dma semaphore(%arg7 : memref<!tpu.dma_semaphore, #tpu.memory_space<semaphore_mem>>) src(%dma_wait3A_76 : memref<201372x128xf32, #tpu.memory_space<hbm>>) dst(%dma_wait3A_70 : memref<128x128xf32, #tpu.memory_space<vmem>>)
      %dma_wait3A_77 = arith.constant 2 : i32
      %dma_wait3A_78 = arith.constant 2 : i32
      %dma_wait3A_79 = arith.constant 0 : i32
      %dma_wait3A_80 = arith.constant 0 : i32
      %dma_wait3A_81 = tpu.memref_slice %arg6[%dma_wait3A_78, %dma_wait3A_79, %dma_wait3A_80] : memref<4x128x128xf32, #tpu.memory_space<vmem>> -> memref<1x128x128xf32, #tpu.memory_space<vmem>>
      %dma_wait3A_82 = tpu.memref_squeeze %dma_wait3A_81 : memref<1x128x128xf32, #tpu.memory_space<vmem>> -> memref<128x128xf32, #tpu.memory_space<vmem>>
      %dma_wait3A_83 = arith.constant 0 : i32
      %dma_wait3A_84 = tpu.memref_slice %arg5[%scan3A_6, %dma_wait3A_77, %dma_wait3A_83] : memref<17x4x128xi32, #tpu.memory_space<vmem>> -> memref<1x1x128xi32, #tpu.memory_space<vmem>>
      %dma_wait3A_85 = tpu.memref_squeeze %dma_wait3A_84 : memref<1x1x128xi32, #tpu.memory_space<vmem>> -> memref<128xi32, #tpu.memory_space<vmem>>
      %dma_wait3A_86 = arith.constant 0 : i32
      %dma_wait3A_87 = arith.constant 0 : i32
      %dma_wait3A_88 = tpu.memref_slice %arg2[%dma_wait3A_86, %dma_wait3A_87] : memref<201372x128xf32, #tpu.memory_space<hbm>> -> memref<201372x128xf32, #tpu.memory_space<hbm>>
      tpu.wait_indirect_dma semaphore(%arg7 : memref<!tpu.dma_semaphore, #tpu.memory_space<semaphore_mem>>) src(%dma_wait3A_88 : memref<201372x128xf32, #tpu.memory_space<hbm>>) dst(%dma_wait3A_82 : memref<128x128xf32, #tpu.memory_space<vmem>>)
      %dma_wait3A_89 = arith.constant 3 : i32
      %dma_wait3A_90 = arith.constant 3 : i32
      %dma_wait3A_91 = arith.constant 0 : i32
      %dma_wait3A_92 = arith.constant 0 : i32
      %dma_wait3A_93 = tpu.memref_slice %arg6[%dma_wait3A_90, %dma_wait3A_91, %dma_wait3A_92] : memref<4x128x128xf32, #tpu.memory_space<vmem>> -> memref<1x128x128xf32, #tpu.memory_space<vmem>>
      %dma_wait3A_94 = tpu.memref_squeeze %dma_wait3A_93 : memref<1x128x128xf32, #tpu.memory_space<vmem>> -> memref<128x128xf32, #tpu.memory_space<vmem>>
      %dma_wait3A_95 = arith.constant 0 : i32
      %dma_wait3A_96 = tpu.memref_slice %arg5[%scan3A_6, %dma_wait3A_89, %dma_wait3A_95] : memref<17x4x128xi32, #tpu.memory_space<vmem>> -> memref<1x1x128xi32, #tpu.memory_space<vmem>>
      %dma_wait3A_97 = tpu.memref_squeeze %dma_wait3A_96 : memref<1x1x128xi32, #tpu.memory_space<vmem>> -> memref<128xi32, #tpu.memory_space<vmem>>
      %dma_wait3A_98 = arith.constant 0 : i32
      %dma_wait3A_99 = arith.constant 0 : i32
      %dma_wait3A_100 = tpu.memref_slice %arg2[%dma_wait3A_98, %dma_wait3A_99] : memref<201372x128xf32, #tpu.memory_space<hbm>> -> memref<201372x128xf32, #tpu.memory_space<hbm>>
      tpu.wait_indirect_dma semaphore(%arg7 : memref<!tpu.dma_semaphore, #tpu.memory_space<semaphore_mem>>) src(%dma_wait3A_100 : memref<201372x128xf32, #tpu.memory_space<hbm>>) dst(%dma_wait3A_94 : memref<128x128xf32, #tpu.memory_space<vmem>>)
      %mul3A_101 = arith.constant 68 : i32
      %mul3A_102 = arith.muli %add3A, %mul3A_101 : i32
      %mul3A_103 = arith.constant 4 : i32
      %mul3A_104 = arith.muli %scan3A_6, %mul3A_103 : i32
      %add3A_105 = arith.addi %mul3A_102, %mul3A_104 : i32
      %add3A_106 = arith.constant 0 : i32
      %add3A_107 = arith.addi %add3A_105, %add3A_106 : i32
      %min3A = arith.constant 2155 : i32
      %min3A_108 = arith.minsi %add3A_107, %min3A : i32
      %jit3A = arith.constant 539 : i32
      %div3A = arith.divsi %min3A_108, %jit3A : i32
      %sign3A = arith.constant 0 : i32
      %sign3A_109 = arith.cmpi sgt, %min3A_108, %sign3A : i32
      %sign3A_110 = arith.extui %sign3A_109 : i1 to i32
      %sign3A_111 = arith.constant 0 : i32
      %sign3A_112 = arith.cmpi slt, %min3A_108, %sign3A_111 : i32
      %sign3A_113 = arith.extui %sign3A_112 : i1 to i32
      %sign3A_114 = arith.subi %sign3A_110, %sign3A_113 : i32
      %sign3A_115 = arith.constant 0 : i32
      %sign3A_116 = arith.cmpi sgt, %jit3A, %sign3A_115 : i32
      %sign3A_117 = arith.extui %sign3A_116 : i1 to i32
      %sign3A_118 = arith.constant 0 : i32
      %sign3A_119 = arith.cmpi slt, %jit3A, %sign3A_118 : i32
      %sign3A_120 = arith.extui %sign3A_119 : i1 to i32
      %sign3A_121 = arith.subi %sign3A_117, %sign3A_120 : i32
      %ne3A = arith.cmpi ne, %sign3A_114, %sign3A_121 : i32
      %rem3A = arith.remsi %min3A_108, %jit3A : i32
      %ne3A_122 = arith.constant 0 : i32
      %ne3A_123 = arith.cmpi ne, %rem3A, %ne3A_122 : i32
      %and3A = arith.andi %ne3A, %ne3A_123 : i1
      %sub3A = arith.constant 1 : i32
      %sub3A_124 = arith.subi %div3A, %sub3A : i32
      %select_n3A = arith.select %and3A, %sub3A_124, %div3A : i32
      %mul3A_125 = arith.constant 539 : i32
      %mul3A_126 = arith.muli %select_n3A, %mul3A_125 : i32
      %sub3A_127 = arith.subi %min3A_108, %mul3A_126 : i32
      %mul3A_128 = arith.constant 72072 : i32
      %mul3A_129 = arith.muli %select_n3A, %mul3A_128 : i32
      %add3A_130 = arith.constant 1584 : i32
      %add3A_131 = arith.addi %mul3A_129, %add3A_130 : i32
      %mul3A_132 = arith.constant 128 : i32
      %mul3A_133 = arith.muli %sub3A_127, %mul3A_132 : i32
      %min3A_134 = arith.constant 68776 : i32
      %min3A_135 = arith.minsi %mul3A_133, %min3A_134 : i32
      %add3A_136 = arith.addi %add3A_131, %min3A_135 : i32
      %multiple_of3A = tpu.assume_multiple %add3A_136, 8 : i32
      %dma_start3A_137 = arith.constant 0 : i32
      %dma_start3A_138 = arith.constant 0 : i32
      %dma_start3A_139 = arith.constant 0 : i32
      %dma_start3A_140 = tpu.memref_slice %arg6[%dma_start3A_137, %dma_start3A_138, %dma_start3A_139] : memref<4x128x128xf32, #tpu.memory_space<vmem>> -> memref<1x128x128xf32, #tpu.memory_space<vmem>>
      %dma_start3A_141 = tpu.memref_squeeze %dma_start3A_140 : memref<1x128x128xf32, #tpu.memory_space<vmem>> -> memref<128x128xf32, #tpu.memory_space<vmem>>
      %dma_start3A_142 = arith.constant 0 : i32
      %dma_start3A_143 = tpu.memref_slice %arg4[%multiple_of3A, %dma_start3A_142] : memref<288288x128xf32, #tpu.memory_space<hbm>> -> memref<128x128xf32, #tpu.memory_space<hbm>>
      %dma_start3A_144 = arith.constant 0 : i32
      %dma_start3A_145 = tpu.memref_slice %arg4[%multiple_of3A, %dma_start3A_144] : memref<288288x128xf32, #tpu.memory_space<hbm>> -> memref<128x128xf32, #tpu.memory_space<hbm>>
      %dma_start3A_146 = arith.constant 0 : i32
      %dma_start3A_147 = arith.constant 0 : i32
      %dma_start3A_148 = tpu.memref_slice %arg6[%dma_start3A_137, %dma_start3A_146, %dma_start3A_147] : memref<4x128x128xf32, #tpu.memory_space<vmem>> -> memref<1x128x128xf32, #tpu.memory_space<vmem>>
      %dma_start3A_149 = tpu.memref_squeeze %dma_start3A_148 : memref<1x128x128xf32, #tpu.memory_space<vmem>> -> memref<128x128xf32, #tpu.memory_space<vmem>>
      tpu.enqueue_dma source(%dma_start3A_149 : memref<128x128xf32, #tpu.memory_space<vmem>>) target(%dma_start3A_145 : memref<128x128xf32, #tpu.memory_space<hbm>>) target_semaphore(%arg8 : memref<!tpu.dma_semaphore, #tpu.memory_space<semaphore_mem>>)
      %mul3A_150 = arith.constant 68 : i32
      %mul3A_151 = arith.muli %add3A, %mul3A_150 : i32
      %mul3A_152 = arith.constant 4 : i32
      %mul3A_153 = arith.muli %scan3A_6, %mul3A_152 : i32
      %add3A_154 = arith.addi %mul3A_151, %mul3A_153 : i32
      %add3A_155 = arith.constant 1 : i32
      %add3A_156 = arith.addi %add3A_154, %add3A_155 : i32
      %min3A_157 = arith.constant 2155 : i32
      %min3A_158 = arith.minsi %add3A_156, %min3A_157 : i32
      %jit3A_159 = arith.constant 539 : i32
      %div3A_160 = arith.divsi %min3A_158, %jit3A_159 : i32
      %sign3A_161 = arith.constant 0 : i32
      %sign3A_162 = arith.cmpi sgt, %min3A_158, %sign3A_161 : i32
      %sign3A_163 = arith.extui %sign3A_162 : i1 to i32
      %sign3A_164 = arith.constant 0 : i32
      %sign3A_165 = arith.cmpi slt, %min3A_158, %sign3A_164 : i32
      %sign3A_166 = arith.extui %sign3A_165 : i1 to i32
      %sign3A_167 = arith.subi %sign3A_163, %sign3A_166 : i32
      %sign3A_168 = arith.constant 0 : i32
      %sign3A_169 = arith.cmpi sgt, %jit3A_159, %sign3A_168 : i32
      %sign3A_170 = arith.extui %sign3A_169 : i1 to i32
      %sign3A_171 = arith.constant 0 : i32
      %sign3A_172 = arith.cmpi slt, %jit3A_159, %sign3A_171 : i32
      %sign3A_173 = arith.extui %sign3A_172 : i1 to i32
      %sign3A_174 = arith.subi %sign3A_170, %sign3A_173 : i32
      %ne3A_175 = arith.cmpi ne, %sign3A_167, %sign3A_174 : i32
      %rem3A_176 = arith.remsi %min3A_158, %jit3A_159 : i32
      %ne3A_177 = arith.constant 0 : i32
      %ne3A_178 = arith.cmpi ne, %rem3A_176, %ne3A_177 : i32
      %and3A_179 = arith.andi %ne3A_175, %ne3A_178 : i1
      %sub3A_180 = arith.constant 1 : i32
      %sub3A_181 = arith.subi %div3A_160, %sub3A_180 : i32
      %select_n3A_182 = arith.select %and3A_179, %sub3A_181, %div3A_160 : i32
      %mul3A_183 = arith.constant 539 : i32
      %mul3A_184 = arith.muli %select_n3A_182, %mul3A_183 : i32
      %sub3A_185 = arith.subi %min3A_158, %mul3A_184 : i32
      %mul3A_186 = arith.constant 72072 : i32
      %mul3A_187 = arith.muli %select_n3A_182, %mul3A_186 : i32
      %add3A_188 = arith.constant 1584 : i32
      %add3A_189 = arith.addi %mul3A_187, %add3A_188 : i32
      %mul3A_190 = arith.constant 128 : i32
      %mul3A_191 = arith.muli %sub3A_185, %mul3A_190 : i32
      %min3A_192 = arith.constant 68776 : i32
      %min3A_193 = arith.minsi %mul3A_191, %min3A_192 : i32
      %add3A_194 = arith.addi %add3A_189, %min3A_193 : i32
      %multiple_of3A_195 = tpu.assume_multiple %add3A_194, 8 : i32
      %dma_start3A_196 = arith.constant 1 : i32
      %dma_start3A_197 = arith.constant 0 : i32
      %dma_start3A_198 = arith.constant 0 : i32
      %dma_start3A_199 = tpu.memref_slice %arg6[%dma_start3A_196, %dma_start3A_197, %dma_start3A_198] : memref<4x128x128xf32, #tpu.memory_space<vmem>> -> memref<1x128x128xf32, #tpu.memory_space<vmem>>
      %dma_start3A_200 = tpu.memref_squeeze %dma_start3A_199 : memref<1x128x128xf32, #tpu.memory_space<vmem>> -> memref<128x128xf32, #tpu.memory_space<vmem>>
      %dma_start3A_201 = arith.constant 0 : i32
      %dma_start3A_202 = tpu.memref_slice %arg4[%multiple_of3A_195, %dma_start3A_201] : memref<288288x128xf32, #tpu.memory_space<hbm>> -> memref<128x128xf32, #tpu.memory_space<hbm>>
      %dma_start3A_203 = arith.constant 0 : i32
      %dma_start3A_204 = tpu.memref_slice %arg4[%multiple_of3A_195, %dma_start3A_203] : memref<288288x128xf32, #tpu.memory_space<hbm>> -> memref<128x128xf32, #tpu.memory_space<hbm>>
      %dma_start3A_205 = arith.constant 0 : i32
      %dma_start3A_206 = arith.constant 0 : i32
      %dma_start3A_207 = tpu.memref_slice %arg6[%dma_start3A_196, %dma_start3A_205, %dma_start3A_206] : memref<4x128x128xf32, #tpu.memory_space<vmem>> -> memref<1x128x128xf32, #tpu.memory_space<vmem>>
      %dma_start3A_208 = tpu.memref_squeeze %dma_start3A_207 : memref<1x128x128xf32, #tpu.memory_space<vmem>> -> memref<128x128xf32, #tpu.memory_space<vmem>>
      tpu.enqueue_dma source(%dma_start3A_208 : memref<128x128xf32, #tpu.memory_space<vmem>>) target(%dma_start3A_204 : memref<128x128xf32, #tpu.memory_space<hbm>>) target_semaphore(%arg8 : memref<!tpu.dma_semaphore, #tpu.memory_space<semaphore_mem>>)
      %mul3A_209 = arith.constant 68 : i32
      %mul3A_210 = arith.muli %add3A, %mul3A_209 : i32
      %mul3A_211 = arith.constant 4 : i32
      %mul3A_212 = arith.muli %scan3A_6, %mul3A_211 : i32
      %add3A_213 = arith.addi %mul3A_210, %mul3A_212 : i32
      %add3A_214 = arith.constant 2 : i32
      %add3A_215 = arith.addi %add3A_213, %add3A_214 : i32
      %min3A_216 = arith.constant 2155 : i32
      %min3A_217 = arith.minsi %add3A_215, %min3A_216 : i32
      %jit3A_218 = arith.constant 539 : i32
      %div3A_219 = arith.divsi %min3A_217, %jit3A_218 : i32
      %sign3A_220 = arith.constant 0 : i32
      %sign3A_221 = arith.cmpi sgt, %min3A_217, %sign3A_220 : i32
      %sign3A_222 = arith.extui %sign3A_221 : i1 to i32
      %sign3A_223 = arith.constant 0 : i32
      %sign3A_224 = arith.cmpi slt, %min3A_217, %sign3A_223 : i32
      %sign3A_225 = arith.extui %sign3A_224 : i1 to i32
      %sign3A_226 = arith.subi %sign3A_222, %sign3A_225 : i32
      %sign3A_227 = arith.constant 0 : i32
      %sign3A_228 = arith.cmpi sgt, %jit3A_218, %sign3A_227 : i32
      %sign3A_229 = arith.extui %sign3A_228 : i1 to i32
      %sign3A_230 = arith.constant 0 : i32
      %sign3A_231 = arith.cmpi slt, %jit3A_218, %sign3A_230 : i32
      %sign3A_232 = arith.extui %sign3A_231 : i1 to i32
      %sign3A_233 = arith.subi %sign3A_229, %sign3A_232 : i32
      %ne3A_234 = arith.cmpi ne, %sign3A_226, %sign3A_233 : i32
      %rem3A_235 = arith.remsi %min3A_217, %jit3A_218 : i32
      %ne3A_236 = arith.constant 0 : i32
      %ne3A_237 = arith.cmpi ne, %rem3A_235, %ne3A_236 : i32
      %and3A_238 = arith.andi %ne3A_234, %ne3A_237 : i1
      %sub3A_239 = arith.constant 1 : i32
      %sub3A_240 = arith.subi %div3A_219, %sub3A_239 : i32
      %select_n3A_241 = arith.select %and3A_238, %sub3A_240, %div3A_219 : i32
      %mul3A_242 = arith.constant 539 : i32
      %mul3A_243 = arith.muli %select_n3A_241, %mul3A_242 : i32
      %sub3A_244 = arith.subi %min3A_217, %mul3A_243 : i32
      %mul3A_245 = arith.constant 72072 : i32
      %mul3A_246 = arith.muli %select_n3A_241, %mul3A_245 : i32
      %add3A_247 = arith.constant 1584 : i32
      %add3A_248 = arith.addi %mul3A_246, %add3A_247 : i32
      %mul3A_249 = arith.constant 128 : i32
      %mul3A_250 = arith.muli %sub3A_244, %mul3A_249 : i32
      %min3A_251 = arith.constant 68776 : i32
      %min3A_252 = arith.minsi %mul3A_250, %min3A_251 : i32
      %add3A_253 = arith.addi %add3A_248, %min3A_252 : i32
      %multiple_of3A_254 = tpu.assume_multiple %add3A_253, 8 : i32
      %dma_start3A_255 = arith.constant 2 : i32
      %dma_start3A_256 = arith.constant 0 : i32
      %dma_start3A_257 = arith.constant 0 : i32
      %dma_start3A_258 = tpu.memref_slice %arg6[%dma_start3A_255, %dma_start3A_256, %dma_start3A_257] : memref<4x128x128xf32, #tpu.memory_space<vmem>> -> memref<1x128x128xf32, #tpu.memory_space<vmem>>
      %dma_start3A_259 = tpu.memref_squeeze %dma_start3A_258 : memref<1x128x128xf32, #tpu.memory_space<vmem>> -> memref<128x128xf32, #tpu.memory_space<vmem>>
      %dma_start3A_260 = arith.constant 0 : i32
      %dma_start3A_261 = tpu.memref_slice %arg4[%multiple_of3A_254, %dma_start3A_260] : memref<288288x128xf32, #tpu.memory_space<hbm>> -> memref<128x128xf32, #tpu.memory_space<hbm>>
      %dma_start3A_262 = arith.constant 0 : i32
      %dma_start3A_263 = tpu.memref_slice %arg4[%multiple_of3A_254, %dma_start3A_262] : memref<288288x128xf32, #tpu.memory_space<hbm>> -> memref<128x128xf32, #tpu.memory_space<hbm>>
      %dma_start3A_264 = arith.constant 0 : i32
      %dma_start3A_265 = arith.constant 0 : i32
      %dma_start3A_266 = tpu.memref_slice %arg6[%dma_start3A_255, %dma_start3A_264, %dma_start3A_265] : memref<4x128x128xf32, #tpu.memory_space<vmem>> -> memref<1x128x128xf32, #tpu.memory_space<vmem>>
      %dma_start3A_267 = tpu.memref_squeeze %dma_start3A_266 : memref<1x128x128xf32, #tpu.memory_space<vmem>> -> memref<128x128xf32, #tpu.memory_space<vmem>>
      tpu.enqueue_dma source(%dma_start3A_267 : memref<128x128xf32, #tpu.memory_space<vmem>>) target(%dma_start3A_263 : memref<128x128xf32, #tpu.memory_space<hbm>>) target_semaphore(%arg8 : memref<!tpu.dma_semaphore, #tpu.memory_space<semaphore_mem>>)
      %mul3A_268 = arith.constant 68 : i32
      %mul3A_269 = arith.muli %add3A, %mul3A_268 : i32
      %mul3A_270 = arith.constant 4 : i32
      %mul3A_271 = arith.muli %scan3A_6, %mul3A_270 : i32
      %add3A_272 = arith.addi %mul3A_269, %mul3A_271 : i32
      %add3A_273 = arith.constant 3 : i32
      %add3A_274 = arith.addi %add3A_272, %add3A_273 : i32
      %min3A_275 = arith.constant 2155 : i32
      %min3A_276 = arith.minsi %add3A_274, %min3A_275 : i32
      %jit3A_277 = arith.constant 539 : i32
      %div3A_278 = arith.divsi %min3A_276, %jit3A_277 : i32
      %sign3A_279 = arith.constant 0 : i32
      %sign3A_280 = arith.cmpi sgt, %min3A_276, %sign3A_279 : i32
      %sign3A_281 = arith.extui %sign3A_280 : i1 to i32
      %sign3A_282 = arith.constant 0 : i32
      %sign3A_283 = arith.cmpi slt, %min3A_276, %sign3A_282 : i32
      %sign3A_284 = arith.extui %sign3A_283 : i1 to i32
      %sign3A_285 = arith.subi %sign3A_281, %sign3A_284 : i32
      %sign3A_286 = arith.constant 0 : i32
      %sign3A_287 = arith.cmpi sgt, %jit3A_277, %sign3A_286 : i32
      %sign3A_288 = arith.extui %sign3A_287 : i1 to i32
      %sign3A_289 = arith.constant 0 : i32
      %sign3A_290 = arith.cmpi slt, %jit3A_277, %sign3A_289 : i32
      %sign3A_291 = arith.extui %sign3A_290 : i1 to i32
      %sign3A_292 = arith.subi %sign3A_288, %sign3A_291 : i32
      %ne3A_293 = arith.cmpi ne, %sign3A_285, %sign3A_292 : i32
      %rem3A_294 = arith.remsi %min3A_276, %jit3A_277 : i32
      %ne3A_295 = arith.constant 0 : i32
      %ne3A_296 = arith.cmpi ne, %rem3A_294, %ne3A_295 : i32
      %and3A_297 = arith.andi %ne3A_293, %ne3A_296 : i1
      %sub3A_298 = arith.constant 1 : i32
      %sub3A_299 = arith.subi %div3A_278, %sub3A_298 : i32
      %select_n3A_300 = arith.select %and3A_297, %sub3A_299, %div3A_278 : i32
      %mul3A_301 = arith.constant 539 : i32
      %mul3A_302 = arith.muli %select_n3A_300, %mul3A_301 : i32
      %sub3A_303 = arith.subi %min3A_276, %mul3A_302 : i32
      %mul3A_304 = arith.constant 72072 : i32
      %mul3A_305 = arith.muli %select_n3A_300, %mul3A_304 : i32
      %add3A_306 = arith.constant 1584 : i32
      %add3A_307 = arith.addi %mul3A_305, %add3A_306 : i32
      %mul3A_308 = arith.constant 128 : i32
      %mul3A_309 = arith.muli %sub3A_303, %mul3A_308 : i32
      %min3A_310 = arith.constant 68776 : i32
      %min3A_311 = arith.minsi %mul3A_309, %min3A_310 : i32
      %add3A_312 = arith.addi %add3A_307, %min3A_311 : i32
      %multiple_of3A_313 = tpu.assume_multiple %add3A_312, 8 : i32
      %dma_start3A_314 = arith.constant 3 : i32
      %dma_start3A_315 = arith.constant 0 : i32
      %dma_start3A_316 = arith.constant 0 : i32
      %dma_start3A_317 = tpu.memref_slice %arg6[%dma_start3A_314, %dma_start3A_315, %dma_start3A_316] : memref<4x128x128xf32, #tpu.memory_space<vmem>> -> memref<1x128x128xf32, #tpu.memory_space<vmem>>
      %dma_start3A_318 = tpu.memref_squeeze %dma_start3A_317 : memref<1x128x128xf32, #tpu.memory_space<vmem>> -> memref<128x128xf32, #tpu.memory_space<vmem>>
      %dma_start3A_319 = arith.constant 0 : i32
      %dma_start3A_320 = tpu.memref_slice %arg4[%multiple_of3A_313, %dma_start3A_319] : memref<288288x128xf32, #tpu.memory_space<hbm>> -> memref<128x128xf32, #tpu.memory_space<hbm>>
      %dma_start3A_321 = arith.constant 0 : i32
      %dma_start3A_322 = tpu.memref_slice %arg4[%multiple_of3A_313, %dma_start3A_321] : memref<288288x128xf32, #tpu.memory_space<hbm>> -> memref<128x128xf32, #tpu.memory_space<hbm>>
      %dma_start3A_323 = arith.constant 0 : i32
      %dma_start3A_324 = arith.constant 0 : i32
      %dma_start3A_325 = tpu.memref_slice %arg6[%dma_start3A_314, %dma_start3A_323, %dma_start3A_324] : memref<4x128x128xf32, #tpu.memory_space<vmem>> -> memref<1x128x128xf32, #tpu.memory_space<vmem>>
      %dma_start3A_326 = tpu.memref_squeeze %dma_start3A_325 : memref<1x128x128xf32, #tpu.memory_space<vmem>> -> memref<128x128xf32, #tpu.memory_space<vmem>>
      tpu.enqueue_dma source(%dma_start3A_326 : memref<128x128xf32, #tpu.memory_space<vmem>>) target(%dma_start3A_322 : memref<128x128xf32, #tpu.memory_space<hbm>>) target_semaphore(%arg8 : memref<!tpu.dma_semaphore, #tpu.memory_space<semaphore_mem>>)
      %dma_wait3A_327 = arith.constant 0 : i32
      %dma_wait3A_328 = arith.constant 0 : i32
      %dma_wait3A_329 = arith.constant 0 : i32
      %dma_wait3A_330 = tpu.memref_slice %arg6[%dma_wait3A_327, %dma_wait3A_328, %dma_wait3A_329] : memref<4x128x128xf32, #tpu.memory_space<vmem>> -> memref<1x128x128xf32, #tpu.memory_space<vmem>>
      %dma_wait3A_331 = tpu.memref_squeeze %dma_wait3A_330 : memref<1x128x128xf32, #tpu.memory_space<vmem>> -> memref<128x128xf32, #tpu.memory_space<vmem>>
      %dma_wait3A_332 = arith.constant 0 : i32
      %dma_wait3A_333 = tpu.memref_slice %arg4[%multiple_of3A, %dma_wait3A_332] : memref<288288x128xf32, #tpu.memory_space<hbm>> -> memref<128x128xf32, #tpu.memory_space<hbm>>
      %dma_wait3A_334 = arith.constant 0 : i32
      %dma_wait3A_335 = tpu.memref_slice %arg4[%multiple_of3A, %dma_wait3A_334] : memref<288288x128xf32, #tpu.memory_space<hbm>> -> memref<128x128xf32, #tpu.memory_space<hbm>>
      %dma_wait3A_336 = arith.constant 0 : i32
      %dma_wait3A_337 = arith.constant 0 : i32
      %dma_wait3A_338 = tpu.memref_slice %arg6[%dma_wait3A_327, %dma_wait3A_336, %dma_wait3A_337] : memref<4x128x128xf32, #tpu.memory_space<vmem>> -> memref<1x128x128xf32, #tpu.memory_space<vmem>>
      %dma_wait3A_339 = tpu.memref_squeeze %dma_wait3A_338 : memref<1x128x128xf32, #tpu.memory_space<vmem>> -> memref<128x128xf32, #tpu.memory_space<vmem>>
      tpu.wait_dma2 semaphore(%arg8 : memref<!tpu.dma_semaphore, #tpu.memory_space<semaphore_mem>>) src(%dma_wait3A_339 : memref<128x128xf32, #tpu.memory_space<vmem>>) dst(%dma_wait3A_335 : memref<128x128xf32, #tpu.memory_space<hbm>>)
      %dma_wait3A_340 = arith.constant 1 : i32
      %dma_wait3A_341 = arith.constant 0 : i32
      %dma_wait3A_342 = arith.constant 0 : i32
      %dma_wait3A_343 = tpu.memref_slice %arg6[%dma_wait3A_340, %dma_wait3A_341, %dma_wait3A_342] : memref<4x128x128xf32, #tpu.memory_space<vmem>> -> memref<1x128x128xf32, #tpu.memory_space<vmem>>
      %dma_wait3A_344 = tpu.memref_squeeze %dma_wait3A_343 : memref<1x128x128xf32, #tpu.memory_space<vmem>> -> memref<128x128xf32, #tpu.memory_space<vmem>>
      %dma_wait3A_345 = arith.constant 0 : i32
      %dma_wait3A_346 = tpu.memref_slice %arg4[%multiple_of3A_195, %dma_wait3A_345] : memref<288288x128xf32, #tpu.memory_space<hbm>> -> memref<128x128xf32, #tpu.memory_space<hbm>>
      %dma_wait3A_347 = arith.constant 0 : i32
      %dma_wait3A_348 = tpu.memref_slice %arg4[%multiple_of3A_195, %dma_wait3A_347] : memref<288288x128xf32, #tpu.memory_space<hbm>> -> memref<128x128xf32, #tpu.memory_space<hbm>>
      %dma_wait3A_349 = arith.constant 0 : i32
      %dma_wait3A_350 = arith.constant 0 : i32
      %dma_wait3A_351 = tpu.memref_slice %arg6[%dma_wait3A_340, %dma_wait3A_349, %dma_wait3A_350] : memref<4x128x128xf32, #tpu.memory_space<vmem>> -> memref<1x128x128xf32, #tpu.memory_space<vmem>>
      %dma_wait3A_352 = tpu.memref_squeeze %dma_wait3A_351 : memref<1x128x128xf32, #tpu.memory_space<vmem>> -> memref<128x128xf32, #tpu.memory_space<vmem>>
      tpu.wait_dma2 semaphore(%arg8 : memref<!tpu.dma_semaphore, #tpu.memory_space<semaphore_mem>>) src(%dma_wait3A_352 : memref<128x128xf32, #tpu.memory_space<vmem>>) dst(%dma_wait3A_348 : memref<128x128xf32, #tpu.memory_space<hbm>>)
      %dma_wait3A_353 = arith.constant 2 : i32
      %dma_wait3A_354 = arith.constant 0 : i32
      %dma_wait3A_355 = arith.constant 0 : i32
      %dma_wait3A_356 = tpu.memref_slice %arg6[%dma_wait3A_353, %dma_wait3A_354, %dma_wait3A_355] : memref<4x128x128xf32, #tpu.memory_space<vmem>> -> memref<1x128x128xf32, #tpu.memory_space<vmem>>
      %dma_wait3A_357 = tpu.memref_squeeze %dma_wait3A_356 : memref<1x128x128xf32, #tpu.memory_space<vmem>> -> memref<128x128xf32, #tpu.memory_space<vmem>>
      %dma_wait3A_358 = arith.constant 0 : i32
      %dma_wait3A_359 = tpu.memref_slice %arg4[%multiple_of3A_254, %dma_wait3A_358] : memref<288288x128xf32, #tpu.memory_space<hbm>> -> memref<128x128xf32, #tpu.memory_space<hbm>>
      %dma_wait3A_360 = arith.constant 0 : i32
      %dma_wait3A_361 = tpu.memref_slice %arg4[%multiple_of3A_254, %dma_wait3A_360] : memref<288288x128xf32, #tpu.memory_space<hbm>> -> memref<128x128xf32, #tpu.memory_space<hbm>>
      %dma_wait3A_362 = arith.constant 0 : i32
      %dma_wait3A_363 = arith.constant 0 : i32
      %dma_wait3A_364 = tpu.memref_slice %arg6[%dma_wait3A_353, %dma_wait3A_362, %dma_wait3A_363] : memref<4x128x128xf32, #tpu.memory_space<vmem>> -> memref<1x128x128xf32, #tpu.memory_space<vmem>>
      %dma_wait3A_365 = tpu.memref_squeeze %dma_wait3A_364 : memref<1x128x128xf32, #tpu.memory_space<vmem>> -> memref<128x128xf32, #tpu.memory_space<vmem>>
      tpu.wait_dma2 semaphore(%arg8 : memref<!tpu.dma_semaphore, #tpu.memory_space<semaphore_mem>>) src(%dma_wait3A_365 : memref<128x128xf32, #tpu.memory_space<vmem>>) dst(%dma_wait3A_361 : memref<128x128xf32, #tpu.memory_space<hbm>>)
      %dma_wait3A_366 = arith.constant 3 : i32
      %dma_wait3A_367 = arith.constant 0 : i32
      %dma_wait3A_368 = arith.constant 0 : i32
      %dma_wait3A_369 = tpu.memref_slice %arg6[%dma_wait3A_366, %dma_wait3A_367, %dma_wait3A_368] : memref<4x128x128xf32, #tpu.memory_space<vmem>> -> memref<1x128x128xf32, #tpu.memory_space<vmem>>
      %dma_wait3A_370 = tpu.memref_squeeze %dma_wait3A_369 : memref<1x128x128xf32, #tpu.memory_space<vmem>> -> memref<128x128xf32, #tpu.memory_space<vmem>>
      %dma_wait3A_371 = arith.constant 0 : i32
      %dma_wait3A_372 = tpu.memref_slice %arg4[%multiple_of3A_313, %dma_wait3A_371] : memref<288288x128xf32, #tpu.memory_space<hbm>> -> memref<128x128xf32, #tpu.memory_space<hbm>>
      %dma_wait3A_373 = arith.constant 0 : i32
      %dma_wait3A_374 = tpu.memref_slice %arg4[%multiple_of3A_313, %dma_wait3A_373] : memref<288288x128xf32, #tpu.memory_space<hbm>> -> memref<128x128xf32, #tpu.memory_space<hbm>>
      %dma_wait3A_375 = arith.constant 0 : i32
      %dma_wait3A_376 = arith.constant 0 : i32
      %dma_wait3A_377 = tpu.memref_slice %arg6[%dma_wait3A_366, %dma_wait3A_375, %dma_wait3A_376] : memref<4x128x128xf32, #tpu.memory_space<vmem>> -> memref<1x128x128xf32, #tpu.memory_space<vmem>>
      %dma_wait3A_378 = tpu.memref_squeeze %dma_wait3A_377 : memref<1x128x128xf32, #tpu.memory_space<vmem>> -> memref<128x128xf32, #tpu.memory_space<vmem>>
      tpu.wait_dma2 semaphore(%arg8 : memref<!tpu.dma_semaphore, #tpu.memory_space<semaphore_mem>>) src(%dma_wait3A_378 : memref<128x128xf32, #tpu.memory_space<vmem>>) dst(%dma_wait3A_374 : memref<128x128xf32, #tpu.memory_space<hbm>>)
    }
    %scan3A_5 = arith.constant 17 : i32
    return
  }
}

module attributes {stable_mosaic.version = 14 : i64} {
  func.func @body(%arg0: i32, %arg1: memref<4x1x264x128xf32, #tpu.memory_space<vmem>>, %arg2: memref<4x7x264x128xf32, #tpu.memory_space<vmem>>, %arg3: memref<4x1x264x128xf32, #tpu.memory_space<vmem>>, %arg4: memref<7x128x128xf32, #tpu.memory_space<vmem>>, %arg5: memref<1x128xf32, #tpu.memory_space<vmem>>, %arg6: memref<4x7x264x128xf32, #tpu.memory_space<vmem>>) attributes {dimension_semantics = [#tpu.dimension_semantics<arbitrary>], iteration_bounds = array<i64: 37>, scalar_prefetch = 0 : i64, scratch_operands = 0 : i64, tpu.core_type = #tpu.core_type<tc>, window_params = [{transform_indices = @transform_0, window_bounds = array<i64: 4, 1, 264, 128>}, {transform_indices = @transform_1, window_bounds = array<i64: 4, 7, 264, 128>}, {transform_indices = @transform_2, window_bounds = array<i64: 4, 1, 264, 128>}, {pipeline_mode = #tpu.pipeline_mode<synchronous>, transform_indices = @transform_3, window_bounds = array<i64: 7, 128, 128>}, {pipeline_mode = #tpu.pipeline_mode<synchronous>, transform_indices = @transform_4, window_bounds = array<i64: 1, 128>}, {transform_indices = @transform_5, window_bounds = array<i64: 4, 7, 264, 128>}]} {
    %get3A = arith.constant 0 : index
    %get3A_0 = arith.constant 0 : index
    %get3A_1 = arith.constant 0 : index
    %get3A_2 = arith.constant 0 : index
    %get3A_3 = vector.load %arg1[%get3A, %get3A_0, %get3A_1, %get3A_2] : memref<4x1x264x128xf32, #tpu.memory_space<vmem>>, vector<4x1x264x128xf32>
    %get3A_4 = arith.constant 0 : index
    %get3A_5 = arith.constant 0 : index
    %get3A_6 = arith.constant 0 : index
    %get3A_7 = arith.constant 0 : index
    %get3A_8 = vector.load %arg2[%get3A_4, %get3A_5, %get3A_6, %get3A_7] : memref<4x7x264x128xf32, #tpu.memory_space<vmem>>, vector<4x7x264x128xf32>
    %get3A_9 = arith.constant 0 : index
    %get3A_10 = arith.constant 0 : index
    %get3A_11 = arith.constant 0 : index
    %get3A_12 = arith.constant 0 : index
    %get3A_13 = vector.load %arg3[%get3A_9, %get3A_10, %get3A_11, %get3A_12] : memref<4x1x264x128xf32, #tpu.memory_space<vmem>>, vector<4x1x264x128xf32>
    %concatenate3A = tpu.concatenate %get3A_3, %get3A_8, %get3A_13 in 1 : vector<4x1x264x128xf32>, vector<4x7x264x128xf32>, vector<4x1x264x128xf32> -> vector<4x9x264x128xf32>
    %slice3A = vector.extract_strided_slice %concatenate3A {offsets = [0, 0, 0, 0], sizes = [4, 7, 264, 128], strides = [1, 1, 1, 1]} : vector<4x9x264x128xf32> to vector<4x7x264x128xf32>
    %slice3A_14 = vector.extract_strided_slice %slice3A {offsets = [0, 0, 263, 0], sizes = [4, 7, 1, 128], strides = [1, 1, 1, 1]} : vector<4x7x264x128xf32> to vector<4x7x1x128xf32>
    %slice3A_15 = vector.extract_strided_slice %slice3A {offsets = [0, 0, 0, 0], sizes = [4, 7, 263, 128], strides = [1, 1, 1, 1]} : vector<4x7x264x128xf32> to vector<4x7x263x128xf32>
    %concatenate3A_16 = tpu.concatenate %slice3A_14, %slice3A_15 in 2 : vector<4x7x1x128xf32>, vector<4x7x263x128xf32> -> vector<4x7x264x128xf32>
    %reshape3A = vector.shape_cast %concatenate3A_16 : vector<4x7x264x128xf32> to vector<7392x128xf32>
    %get3A_17 = arith.constant 0 : index
    %get3A_18 = arith.constant 0 : index
    %get3A_19 = arith.constant 0 : index
    %get3A_20 = vector.load %arg4[%get3A_17, %get3A_18, %get3A_19] : memref<7x128x128xf32, #tpu.memory_space<vmem>>, vector<1x128x128xf32>
    %get3A_21 = vector.shape_cast %get3A_20 : vector<1x128x128xf32> to vector<128x128xf32>
    %dot_general3A = arith.constant dense<0.000000e+00> : vector<7392x128xf32>
    %dot_general3A_22 = tpu.matmul %reshape3A, %get3A_21, %dot_general3A {dimension_numbers = #tpu.dot_dimension_numbers<[1], [0], [0], [1], [0, 0, 1, 1], [], []>, transpose_lhs_hint = false} : vector<7392x128xf32>, vector<128x128xf32>, vector<7392x128xf32> -> vector<7392x128xf32>
    %slice3A_23 = vector.extract_strided_slice %concatenate3A {offsets = [0, 0, 0, 0], sizes = [4, 7, 264, 128], strides = [1, 1, 1, 1]} : vector<4x9x264x128xf32> to vector<4x7x264x128xf32>
    %reshape3A_24 = vector.shape_cast %slice3A_23 : vector<4x7x264x128xf32> to vector<7392x128xf32>
    %get3A_25 = arith.constant 1 : index
    %get3A_26 = arith.constant 0 : index
    %get3A_27 = arith.constant 0 : index
    %get3A_28 = vector.load %arg4[%get3A_25, %get3A_26, %get3A_27] : memref<7x128x128xf32, #tpu.memory_space<vmem>>, vector<1x128x128xf32>
    %get3A_29 = vector.shape_cast %get3A_28 : vector<1x128x128xf32> to vector<128x128xf32>
    %dot_general3A_30 = arith.constant dense<0.000000e+00> : vector<7392x128xf32>
    %dot_general3A_31 = tpu.matmul %reshape3A_24, %get3A_29, %dot_general3A_30 {dimension_numbers = #tpu.dot_dimension_numbers<[1], [0], [0], [1], [0, 0, 1, 1], [], []>, transpose_lhs_hint = false} : vector<7392x128xf32>, vector<128x128xf32>, vector<7392x128xf32> -> vector<7392x128xf32>
    %add3A = arith.addf %dot_general3A_22, %dot_general3A_31 : vector<7392x128xf32>
    %slice3A_32 = vector.extract_strided_slice %concatenate3A {offsets = [0, 1, 0, 0], sizes = [4, 7, 264, 128], strides = [1, 1, 1, 1]} : vector<4x9x264x128xf32> to vector<4x7x264x128xf32>
    %slice3A_33 = vector.extract_strided_slice %slice3A_32 {offsets = [0, 0, 263, 0], sizes = [4, 7, 1, 128], strides = [1, 1, 1, 1]} : vector<4x7x264x128xf32> to vector<4x7x1x128xf32>
    %slice3A_34 = vector.extract_strided_slice %slice3A_32 {offsets = [0, 0, 0, 0], sizes = [4, 7, 263, 128], strides = [1, 1, 1, 1]} : vector<4x7x264x128xf32> to vector<4x7x263x128xf32>
    %concatenate3A_35 = tpu.concatenate %slice3A_33, %slice3A_34 in 2 : vector<4x7x1x128xf32>, vector<4x7x263x128xf32> -> vector<4x7x264x128xf32>
    %reshape3A_36 = vector.shape_cast %concatenate3A_35 : vector<4x7x264x128xf32> to vector<7392x128xf32>
    %get3A_37 = arith.constant 2 : index
    %get3A_38 = arith.constant 0 : index
    %get3A_39 = arith.constant 0 : index
    %get3A_40 = vector.load %arg4[%get3A_37, %get3A_38, %get3A_39] : memref<7x128x128xf32, #tpu.memory_space<vmem>>, vector<1x128x128xf32>
    %get3A_41 = vector.shape_cast %get3A_40 : vector<1x128x128xf32> to vector<128x128xf32>
    %dot_general3A_42 = arith.constant dense<0.000000e+00> : vector<7392x128xf32>
    %dot_general3A_43 = tpu.matmul %reshape3A_36, %get3A_41, %dot_general3A_42 {dimension_numbers = #tpu.dot_dimension_numbers<[1], [0], [0], [1], [0, 0, 1, 1], [], []>, transpose_lhs_hint = false} : vector<7392x128xf32>, vector<128x128xf32>, vector<7392x128xf32> -> vector<7392x128xf32>
    %add3A_44 = arith.addf %add3A, %dot_general3A_43 : vector<7392x128xf32>
    %slice3A_45 = vector.extract_strided_slice %concatenate3A {offsets = [0, 1, 0, 0], sizes = [4, 7, 264, 128], strides = [1, 1, 1, 1]} : vector<4x9x264x128xf32> to vector<4x7x264x128xf32>
    %reshape3A_46 = vector.shape_cast %slice3A_45 : vector<4x7x264x128xf32> to vector<7392x128xf32>
    %get3A_47 = arith.constant 3 : index
    %get3A_48 = arith.constant 0 : index
    %get3A_49 = arith.constant 0 : index
    %get3A_50 = vector.load %arg4[%get3A_47, %get3A_48, %get3A_49] : memref<7x128x128xf32, #tpu.memory_space<vmem>>, vector<1x128x128xf32>
    %get3A_51 = vector.shape_cast %get3A_50 : vector<1x128x128xf32> to vector<128x128xf32>
    %dot_general3A_52 = arith.constant dense<0.000000e+00> : vector<7392x128xf32>
    %dot_general3A_53 = tpu.matmul %reshape3A_46, %get3A_51, %dot_general3A_52 {dimension_numbers = #tpu.dot_dimension_numbers<[1], [0], [0], [1], [0, 0, 1, 1], [], []>, transpose_lhs_hint = false} : vector<7392x128xf32>, vector<128x128xf32>, vector<7392x128xf32> -> vector<7392x128xf32>
    %add3A_54 = arith.addf %add3A_44, %dot_general3A_53 : vector<7392x128xf32>
    %slice3A_55 = vector.extract_strided_slice %concatenate3A {offsets = [0, 1, 0, 0], sizes = [4, 7, 264, 128], strides = [1, 1, 1, 1]} : vector<4x9x264x128xf32> to vector<4x7x264x128xf32>
    %slice3A_56 = vector.extract_strided_slice %slice3A_55 {offsets = [0, 0, 1, 0], sizes = [4, 7, 263, 128], strides = [1, 1, 1, 1]} : vector<4x7x264x128xf32> to vector<4x7x263x128xf32>
    %slice3A_57 = vector.extract_strided_slice %slice3A_55 {offsets = [0, 0, 0, 0], sizes = [4, 7, 1, 128], strides = [1, 1, 1, 1]} : vector<4x7x264x128xf32> to vector<4x7x1x128xf32>
    %concatenate3A_58 = tpu.concatenate %slice3A_56, %slice3A_57 in 2 : vector<4x7x263x128xf32>, vector<4x7x1x128xf32> -> vector<4x7x264x128xf32>
    %reshape3A_59 = vector.shape_cast %concatenate3A_58 : vector<4x7x264x128xf32> to vector<7392x128xf32>
    %get3A_60 = arith.constant 4 : index
    %get3A_61 = arith.constant 0 : index
    %get3A_62 = arith.constant 0 : index
    %get3A_63 = vector.load %arg4[%get3A_60, %get3A_61, %get3A_62] : memref<7x128x128xf32, #tpu.memory_space<vmem>>, vector<1x128x128xf32>
    %get3A_64 = vector.shape_cast %get3A_63 : vector<1x128x128xf32> to vector<128x128xf32>
    %dot_general3A_65 = arith.constant dense<0.000000e+00> : vector<7392x128xf32>
    %dot_general3A_66 = tpu.matmul %reshape3A_59, %get3A_64, %dot_general3A_65 {dimension_numbers = #tpu.dot_dimension_numbers<[1], [0], [0], [1], [0, 0, 1, 1], [], []>, transpose_lhs_hint = false} : vector<7392x128xf32>, vector<128x128xf32>, vector<7392x128xf32> -> vector<7392x128xf32>
    %add3A_67 = arith.addf %add3A_54, %dot_general3A_66 : vector<7392x128xf32>
    %slice3A_68 = vector.extract_strided_slice %concatenate3A {offsets = [0, 2, 0, 0], sizes = [4, 7, 264, 128], strides = [1, 1, 1, 1]} : vector<4x9x264x128xf32> to vector<4x7x264x128xf32>
    %reshape3A_69 = vector.shape_cast %slice3A_68 : vector<4x7x264x128xf32> to vector<7392x128xf32>
    %get3A_70 = arith.constant 5 : index
    %get3A_71 = arith.constant 0 : index
    %get3A_72 = arith.constant 0 : index
    %get3A_73 = vector.load %arg4[%get3A_70, %get3A_71, %get3A_72] : memref<7x128x128xf32, #tpu.memory_space<vmem>>, vector<1x128x128xf32>
    %get3A_74 = vector.shape_cast %get3A_73 : vector<1x128x128xf32> to vector<128x128xf32>
    %dot_general3A_75 = arith.constant dense<0.000000e+00> : vector<7392x128xf32>
    %dot_general3A_76 = tpu.matmul %reshape3A_69, %get3A_74, %dot_general3A_75 {dimension_numbers = #tpu.dot_dimension_numbers<[1], [0], [0], [1], [0, 0, 1, 1], [], []>, transpose_lhs_hint = false} : vector<7392x128xf32>, vector<128x128xf32>, vector<7392x128xf32> -> vector<7392x128xf32>
    %add3A_77 = arith.addf %add3A_67, %dot_general3A_76 : vector<7392x128xf32>
    %slice3A_78 = vector.extract_strided_slice %concatenate3A {offsets = [0, 2, 0, 0], sizes = [4, 7, 264, 128], strides = [1, 1, 1, 1]} : vector<4x9x264x128xf32> to vector<4x7x264x128xf32>
    %slice3A_79 = vector.extract_strided_slice %slice3A_78 {offsets = [0, 0, 1, 0], sizes = [4, 7, 263, 128], strides = [1, 1, 1, 1]} : vector<4x7x264x128xf32> to vector<4x7x263x128xf32>
    %slice3A_80 = vector.extract_strided_slice %slice3A_78 {offsets = [0, 0, 0, 0], sizes = [4, 7, 1, 128], strides = [1, 1, 1, 1]} : vector<4x7x264x128xf32> to vector<4x7x1x128xf32>
    %concatenate3A_81 = tpu.concatenate %slice3A_79, %slice3A_80 in 2 : vector<4x7x263x128xf32>, vector<4x7x1x128xf32> -> vector<4x7x264x128xf32>
    %reshape3A_82 = vector.shape_cast %concatenate3A_81 : vector<4x7x264x128xf32> to vector<7392x128xf32>
    %get3A_83 = arith.constant 6 : index
    %get3A_84 = arith.constant 0 : index
    %get3A_85 = arith.constant 0 : index
    %get3A_86 = vector.load %arg4[%get3A_83, %get3A_84, %get3A_85] : memref<7x128x128xf32, #tpu.memory_space<vmem>>, vector<1x128x128xf32>
    %get3A_87 = vector.shape_cast %get3A_86 : vector<1x128x128xf32> to vector<128x128xf32>
    %dot_general3A_88 = arith.constant dense<0.000000e+00> : vector<7392x128xf32>
    %dot_general3A_89 = tpu.matmul %reshape3A_82, %get3A_87, %dot_general3A_88 {dimension_numbers = #tpu.dot_dimension_numbers<[1], [0], [0], [1], [0, 0, 1, 1], [], []>, transpose_lhs_hint = false} : vector<7392x128xf32>, vector<128x128xf32>, vector<7392x128xf32> -> vector<7392x128xf32>
    %add3A_90 = arith.addf %add3A_77, %dot_general3A_89 : vector<7392x128xf32>
    %get3A_91 = arith.constant 0 : index
    %get3A_92 = arith.constant 0 : index
    %get3A_93 = vector.load %arg5[%get3A_91, %get3A_92] : memref<1x128xf32, #tpu.memory_space<vmem>>, vector<1x128xf32>
    %add3A_94 = vector.broadcast %get3A_93 : vector<1x128xf32> to vector<7392x128xf32>
    %add3A_95 = arith.addf %add3A_90, %add3A_94 : vector<7392x128xf32>
    %reshape3A_96 = vector.shape_cast %add3A_95 : vector<7392x128xf32> to vector<4x7x264x128xf32>
    %swap3A = arith.constant 0 : index
    %swap3A_97 = arith.constant 0 : index
    %swap3A_98 = arith.constant 0 : index
    %swap3A_99 = arith.constant 0 : index
    %swap3A_100 = vector.load %arg6[%swap3A, %swap3A_97, %swap3A_98, %swap3A_99] : memref<4x7x264x128xf32, #tpu.memory_space<vmem>>, vector<4x7x264x128xf32>
    tpu.vector_store %arg6[%swap3A, %swap3A_97, %swap3A_98, %swap3A_99], %reshape3A_96 {strides = array<i32>} : memref<4x7x264x128xf32, #tpu.memory_space<vmem>>, vector<4x7x264x128xf32>,
    return
  }
  func.func @transform_0(%arg0: i32) -> (i32, i32, i32, i32) {
    %mul3A = arith.constant 7 : i32
    %mul3A_0 = arith.muli %mul3A, %arg0 : i32
    %add3A = arith.constant 6 : i32
    %add3A_1 = arith.addi %add3A, %mul3A_0 : i32
    %c0_i32 = arith.constant 0 : i32
    %c0_i32_2 = arith.constant 0 : i32
    %c0_i32_3 = arith.constant 0 : i32
    %c0_i32_4 = arith.constant 0 : i32
    return %c0_i32, %add3A_1, %c0_i32_2, %c0_i32_3 : i32, i32, i32, i32
  }
  func.func @transform_1(%arg0: i32) -> (i32, i32, i32, i32) {
    %add3A = arith.constant 1 : i32
    %add3A_0 = arith.addi %arg0, %add3A : i32
    %c0_i32 = arith.constant 0 : i32
    %c0_i32_1 = arith.constant 0 : i32
    %c0_i32_2 = arith.constant 0 : i32
    %c0_i32_3 = arith.constant 0 : i32
    return %c0_i32, %add3A_0, %c0_i32_1, %c0_i32_2 : i32, i32, i32, i32
  }
  func.func @transform_2(%arg0: i32) -> (i32, i32, i32, i32) {
    %mul3A = arith.constant 7 : i32
    %mul3A_0 = arith.muli %mul3A, %arg0 : i32
    %add3A = arith.constant 14 : i32
    %add3A_1 = arith.addi %add3A, %mul3A_0 : i32
    %c0_i32 = arith.constant 0 : i32
    %c0_i32_2 = arith.constant 0 : i32
    %c0_i32_3 = arith.constant 0 : i32
    %c0_i32_4 = arith.constant 0 : i32
    return %c0_i32, %add3A_1, %c0_i32_2, %c0_i32_3 : i32, i32, i32, i32
  }
  func.func @transform_3(%arg0: i32) -> (i32, i32, i32) {
    %c0_i32 = arith.constant 0 : i32
    %c0_i32_0 = arith.constant 0 : i32
    %c0_i32_1 = arith.constant 0 : i32
    %c0_i32_2 = arith.constant 0 : i32
    return %c0_i32, %c0_i32_0, %c0_i32_1 : i32, i32, i32
  }
  func.func @transform_4(%arg0: i32) -> (i32, i32) {
    %c0_i32 = arith.constant 0 : i32
    %c0_i32_0 = arith.constant 0 : i32
    %c0_i32_1 = arith.constant 0 : i32
    return %c0_i32, %c0_i32_0 : i32, i32
  }
  func.func @transform_5(%arg0: i32) -> (i32, i32, i32, i32) {
    %c0_i32 = arith.constant 0 : i32
    %c0_i32_0 = arith.constant 0 : i32
    %c0_i32_1 = arith.constant 0 : i32
    %c0_i32_2 = arith.constant 0 : i32
    return %c0_i32, %arg0, %c0_i32_0, %c0_i32_1 : i32, i32, i32, i32
  }
}

</mosaic_0001>

<sc_bundles>
// kernel: kernel.5.cloned.1.call-start
scs
__scs_entry_jumppad:
0x0: {  	(pc) =	sbr.rel $0x88, $3  }
0x1: {  	(tag) =	ssettag $0x0;
	lr =	simm.s32 $0x1  }
0x2: {  	[smem:$0x3F9E] =	sst lr;
	_ =	strace $0xD0000000  }
0x3: {  	_ = 	snop  }
0x4: {  	_ = 	snop  }
0x5: {  	_ = 	snop  }
0x6: {  	_ = 	snop  }
0x7: {  	_ = 	snop  }
__scs_overlays_trampoline_lowered:
0x8: {  	[smem:$0x3FAD] =	sst s0  }
0x9: {  	[smem:$0x3FAE] =	sst s1  }
0xa: {  	[smem:$0x3FAF] =	sst s2  }
0xb: {  	[smem:$0x3FB0] =	sst s3  }
0xc: {  	[smem:$0x3FB1] =	sst s4  }
0xd: {  	[smem:$0x3FB2] =	sst s5  }
0xe: {  	[smem:$0x3FB3] =	sst s6  }
0xf: {  	[smem:$0x3FB4] =	sst s7  }
0x10: {  	[smem:$0x3FB5] =	sst s8  }
0x11: {  	[smem:$0x3FB6] =	sst s9;
	s0 =	simm.s32 @!p0 $0x0  }
0x12: {  	s1 =	sld [smem:$0x3F9C];
	s0 =	simm.s32 @p0 $0x1  }
0x13: {  	[smem:$0x3FB7] =	sst s0;
	s0 =	simm.s32 @!p1 $0x0  }
0x14: {  	s2 =	sld [smem:$0x3F9B];
	s0 =	simm.s32 @p1 $0x1  }
0x15: {  	[smem:$0x3FB8] =	sst s0;
	s0 =	simm.s32 @!p2 $0x0  }
0x16: {  	s3 =	sld [smem:$0x3FDB];
	s0 =	simm.s32 @p2 $0x1  }
0x17: {  	s4 =	simm.s32 $0x1BF5;
	[smem:$0x3FBA] =	sst s0  }
0x18: {  	s0 =	sld [smem:$0x3F9D];
	_ =	swait.ge [sflag:s4], $0x0  }
0x19: {  	s7 =	sld [smem:$0x3F9E]  }
0x1a: {  	s8 =	sadd.s32 $0xFFFFE003, lr  }
0x1b: {  	s9 =	sadd.s32 $0xFFFFFEF7, lr;
	s5 =	simm.s32 $0xFFFFFFFF;
	p2 =	slt.u32 s8, $0xFFFFF086  }
0x1c: {  	p1 =	slt.u32 s9, $0xF7A;
	s5 =	simm.s32 @!p2 $0x0  }
0x1d: {  	s5 =	simm.s32 @p1 $0x1;
	p0 =	seq.s32 s7, s2  }
0x1e: {  	s7 =	smul.u32 @!p0 $0xF7A, s2;
	p2 =	seq.s32 @!p0 s5, $0x0  }
0x1f: {  	s9 =	smul.u32 $0xF7A, s1;
	s8 =	simm.s32 @!p0 $0x1BF5;
	p2 =	por !p2, p0  }
0x20: {  	[sflag:s8] =	ssyncset.s32 @!p0 $0xFFFFF086;
	s6 =	sadd.s32 @!p0 s3, s7;
	s7 =	simm.s32 @!p0 $0x108  }
0x21: {  	s3 =	sadd.s32 s3, s9;
	s6 =	sadd.s32 @!p0 $0x88, s6;
	s7 =	simm.s32 @p2 $0x1082  }
0x22: {  	[simem:s7], [sflag:s8] =	dma.local @!p0 [hbm:s6], $0xF7A  }
0x23: {  	s9 =	sor.u32 $0xD0000000, s2;
	s6 =	simm.s32 $0x108;
	_ =	swait.ge @!p0 [sflag:s8], $0x0  }
0x24: {  	s3 =	sadd.s32 $0x88, s3;
	s6 =	simm.s32 @!p1 $0x1082;
	[sflag:s4] =	ssyncset.s32 $0xFFFFF086  }
0x25: {  	[simem:s6], [sflag:s4] =	dma.local [hbm:s3], $0xF7A  }
0x26: {  	[smem:$0x3F9E] =	sst s1;
	(tag) =	ssettag s2;
	_ =	strace s9  }
0x27: {  	s1 =	sld [smem:$0x3FAE]  }
0x28: {  	s2 =	sld [smem:$0x3FAF]  }
0x29: {  	s4 =	sld [smem:$0x3FB1]  }
0x2a: {  	p0 =	seq.s32 s5, $0x0;
	s5 =	sld [smem:$0x3FB2]  }
0x2b: {  	s6 =	sld [smem:$0x3FB3]  }
0x2c: {  	s7 =	sld [smem:$0x3FB4]  }
0x2d: {  	s3 =	simm.s32 $0x108;
	s8 =	sld [smem:$0x3FB5]  }
0x2e: {  	s3 =	simm.s32 @!p0 $0x1082;
	s9 =	sld [smem:$0x3FB6]  }
0x2f: {  	lr =	sadd.s32 s0, s3;
	s0 =	sld [smem:$0x3FAD]  }
0x30: {  	s3 =	sld [smem:$0x3FB0]  }
0x31: {  	[smem:$0x3FB9] =	sst s10  }
0x32: {  	s10 =	sld [smem:$0x3FB7];
	_ =	sdelay $0x3  }
0x33: {  	p0 =	seq.s32 s10, $0x1;
	s10 =	sld [smem:$0x3FB9];
	_ =	sdelay $0x3  }
0x34: {  	[smem:$0x3FB9] =	sst s10  }
0x35: {  	s10 =	sld [smem:$0x3FB8];
	_ =	sdelay $0x3  }
0x36: {  	p1 =	seq.s32 s10, $0x1;
	s10 =	sld [smem:$0x3FB9];
	_ =	sdelay $0x3  }
0x37: {  	[smem:$0x3FB9] =	sst s10  }
0x38: {  	s10 =	sld [smem:$0x3FBA]  }
0x39: {  	_ = 	snop;
	(pc) =	sbr.ind lr, $3  }
0x3a: {  	_ = 	snop  }
0x3b: {  	_ = 	snop  }
0x3c: {  	p2 =	seq.s32 s10, $0x1;
	s10 =	sld [smem:$0x3FB9]  }
0x3d: {  	_ =	shalt  }
0x3e: {  	_ =	shalt  }
0x3f: {  	_ =	shalt  }
0x40: {  	_ =	shalt  }
0x41: {  	_ =	shalt  }
0x42: {  	_ =	shalt  }
0x43: {  	_ =	shalt  }
0x44: {  	_ =	shalt  }
0x45: {  	_ =	shalt  }
0x46: {  	_ =	shalt  }
0x47: {  	_ =	shalt  }
0x48: {  	_ =	shalt  }
0x49: {  	_ =	shalt  }
0x4a: {  	_ =	shalt  }
0x4b: {  	_ =	shalt  }
0x4c: {  	_ =	shalt  }
0x4d: {  	_ =	shalt  }
0x4e: {  	_ =	shalt  }
0x4f: {  	_ =	shalt  }
0x50: {  	_ =	shalt  }
0x51: {  	_ =	shalt  }
0x52: {  	_ =	shalt  }
0x53: {  	_ =	shalt  }
0x54: {  	_ =	shalt  }
0x55: {  	_ =	shalt  }
0x56: {  	_ =	shalt  }
0x57: {  	_ =	shalt  }
0x58: {  	_ =	shalt  }
0x59: {  	_ =	shalt  }
0x5a: {  	_ =	shalt  }
0x5b: {  	_ =	shalt  }
0x5c: {  	_ =	shalt  }
0x5d: {  	_ =	shalt  }
0x5e: {  	_ =	shalt  }
0x5f: {  	_ =	shalt  }
0x60: {  	_ =	shalt  }
0x61: {  	_ =	shalt  }
0x62: {  	_ =	shalt  }
0x63: {  	_ =	shalt  }
0x64: {  	_ =	shalt  }
0x65: {  	_ =	shalt  }
0x66: {  	_ =	shalt  }
0x67: {  	_ =	shalt  }
0x68: {  	_ =	shalt  }
0x69: {  	_ =	shalt  }
0x6a: {  	_ =	shalt  }
0x6b: {  	_ =	shalt  }
0x6c: {  	_ =	shalt  }
0x6d: {  	_ =	shalt  }
0x6e: {  	_ =	shalt  }
0x6f: {  	_ =	shalt  }
0x70: {  	_ =	shalt  }
0x71: {  	_ =	shalt  }
0x72: {  	_ =	shalt  }
0x73: {  	_ =	shalt  }
0x74: {  	_ =	shalt  }
0x75: {  	_ =	shalt  }
0x76: {  	_ =	shalt  }
0x77: {  	_ =	shalt  }
0x78: {  	_ =	shalt  }
0x79: {  	_ =	shalt  }
0x7a: {  	_ =	shalt  }
0x7b: {  	_ =	shalt  }
0x7c: {  	_ =	shalt  }
0x7d: {  	_ =	shalt  }
0x7e: {  	_ =	shalt  }
0x7f: {  	_ =	shalt  }
0x80: {  	_ =	shalt  }
0x81: {  	_ =	shalt  }
0x82: {  	_ =	shalt  }
0x83: {  	_ =	shalt  }
0x84: {  	_ =	shalt  }
0x85: {  	_ =	shalt  }
0x86: {  	_ =	shalt  }
0x87: {  	_ =	shalt  }
.Lfunc_end0:
.L_simem_size_0:
called_computation.1_lowered:
.L_overlay_start_0:
0x88: {  	s2 =	sld [smem:$0x3FD9]  }
0x89: {  	s3 =	sld [smem:$0x3FFE];
	_ =	sdelay $0x1  }
0x8a: {  	s1 =	srdreg.scid  }
0x8b: {  	s0 =	sand.u32 $0x1, s1  }
0x8c: {  	s17 =	sshll.u32 s0, $0xA;
	s2 =	sadd.s32 s3, s2  }
0x8d: {  	s2 =	sadd.s32 s2, s17  }
0x8e: {  	[smem:$0x3FC5] =	sst s2  }
0x8f: {  	_ = 	snop  }
0x90: {  	s2 =	sld [smem:$0x3FD0];
	(tm) =	ssettm $0x1  }
0x91: {  	s18 =	sld [smem:$0x3FFB];
	_ =	sdelay $0x3  }
0x92: {  	_ =	strace s18  }
0x93: {  	s3 =	sld [smem:$0x3FFC];
	_ =	sdelay $0x3  }
0x94: {  	_ =	strace s3  }
0x95: {  	s3 =	sld [smem:$0x3FFD];
	_ =	sdelay $0x3  }
0x96: {  	_ =	strace s3  }
0x97: {  	_ =	strace $0x8FFFFFFF  }
0x98: {  	s19 =	sld [smem:$0x3FDB];
	_ =	sdelay $0x1  }
0x99: {  	s4 =	simm.s32 $_scs_section_size  }
0x9a: {  	s5 =	simm.s32 $_size__tile_overlayer_lowered;
	s6 =	simm.s32 $_tile_overlayer_lowered  }
0x9b: {  	s22 =	simm.s32 $0x1BFF;
	s21 =	sshll.u32 s6, $0x1;
	s3 =	sadd.s32 s4, s19  }
0x9c: {  	s7 =	simm.s32 $0x0;
	s20 =	sshll.u32 s5, $0x1;
	s5 =	sadd.s32 s21, s3  }
0x9d: {  	[timem:s7], [sflag:s22] =	dma.local [hbm:s5], s20  }
0x9e: {  	_ =	swait.ge [sflag:s22], s20  }
0x9f: {  	s4 =	ssub.s32 $0x0, s20;
	[sflag:s22] =	ssyncset.done $0x0  }
0xa0: {  	[sflag:s22] =	ssyncadd.s32 s4;
	_ =	sdelay $0x1  }
0xa1: {  	s23 =	simm.s32 $0x1B8B  }
0xa2: {  	_ =	swait.ge [sflag:s23], $0x1  }
0xa3: {  	[sflag:s23] =	ssyncset.done $0x0  }
0xa4: {  	s25 =	simm.s32 $0x1B8E;
	s24 =	sld [smem:$0x3FFE];
	[sflag:s23] =	ssyncadd.s32 $0xFFFFFFFF  }
0xa5: {  	s26 =	simm.s32 $execute0_lowered;
	[smem:$0x3FD2] =	sst s25  }
0xa6: {  	s5 =	sshll.u32 s26, $0x1;
	_ =	strace $0x80000046;
	[dreg:$0x1] =	wrdreg $0xFFFFFFFF  }
0xa7: {  	s28 =	simm.s32 $_size_execute0_lowered;
	s3 =	sadd.s32 s3, s5;
	[dreg:$0x0] =	wrdreg $0x0  }
0xa8: {  	s5 =	sshll.u32 s28, $0x1;
	[dreg:$0x2] =	wrdreg s3  }
0xa9: {  	[dreg:$0x3] =	wrdreg s5  }
0xaa: {  	[dreg:$0x4] =	wrdreg $0xC0  }
0xab: {  	_ =	task [dreg:s7], $0x5FFFF  }
0xac: {  	[dreg:$0x1] =	wrdreg $0xFFFFFFFF  }
0xad: {  	[dreg:$0x0] =	wrdreg $0x60  }
0xae: {  	[dreg:$0x2] =	wrdreg s24  }
0xaf: {  	[dreg:$0x3] =	wrdreg s2  }
0xb0: {  	[dreg:$0x4] =	wrdreg $0x9  }
0xb1: {  	_ =	task.clear_ibuf [dreg:s7], $0x5FFFF;
	_ =	strace $0x90000046  }
0xb2: {  	s29 =	simm.s32 $0x9;
	_ =	strace $0x80000048  }
0xb3: {  	_ =	swait.ge [sflag:s29], $0x1  }
0xb4: {  	[sflag:s29] =	ssyncadd.s32 $0xFFFFFFFF  }
0xb5: {  	_ =	strace $0x90000048  }
0xb6: {  	_ =	sfence  }
0xb7: {  	s30 =	sld [smem:$0x0];
	_ =	sdelay $0x2  }
0xb8: {  	s31 =	sshll.u32 s1, $0xD;
	s1 =	sshrl.u32 s1, $0x2  }
0xb9: {  	s3 =	sand.u32 $0x4000, s31;
	s1 =	sadd.s32 s1, s30  }
0xba: {  	s0 =	sor.u32 s3, s0;
	s1 =	sshll.u32 s1, $0x11  }
0xbb: {  	s0 =	sor.u32 s1, s0  }
0xbc: {  	s0 =	sadd.s32 $0x8F2B, s0  }
0xbd: {  	[sflag:s0] =	ssyncadd.remote.s32 $0x1  }
0xbe: {  	_ =	sfence.sel $0xFFFF  }
0xbf: {  	[dreg:$0x0] =	wrdreg $0xFFFFFFFF;
	(pc) =	sbr.abs _section_cstart, $3  }
0xc0: {  	[dreg:$0x1] =	wrdreg $0xFFFFFFFF  }
0xc1: {  	_ =	task.clear_ibuf [dreg:s7], $0x2FFFF;
	_ =	strace $0x9FFFFFFF  }
0xc2: {  	(tm) =	ssettm $0x7FFFFFFF  }
0xc3: {  	_ =	shalt  }
tec
execute0_lowered:
.L_overlay_start_1:
0x0: {  	(tag) =	ssettag $0x1  }
0x1: {  	s4 =	rddreg [dreg:$0x0]  }
0x2: {  	s5 =	rddreg [dreg:$0x1]  }
0x3: {  	s0 =	rddreg [dreg:$0x2];
	s2 =	simm.s32 $0x0;
	s3 =	srdreg.scid  }
0x4: {  	s1 =	stileid.u32;
	s11 =	simm.s32 $0xA200;
	s12 =	simm.s32 $0xE200  }
0x5: {  	s13 =	simm.s32 $0x1;
	s14 =	simm.s32 $0x2;
	s15 =	simm.s32 $0x0  }
0x6: {  	[smem:$0x7FF] =	sst s2;
	s3 =	sand.u32 $0x1, s3;
	s6 =	sshll.u32 s1, $0x1  }
0x7: {  	s7 =	smul.u32 $0x88, s1;
	_ =	strace $0x80000047;
	s8 =	ssub.s32 $0x2, s3  }
0x8: {  	s6 =	sor.u32 s3, s6;
	s9 =	smul.u32 $0x44, s3;
	s3 =	sadd.s32 $0x625C00, s4  }
0x9: {  	s4 =	sadd.s32 $0x1800, s4;
	s10 =	sshrl.u32 s8, $0x1;
	s6 =	smul.u32 $0x440, s6  }
0xa: {  	s8 =	ssub.s32 s8, s10;
	s7 =	sadd.s32 s9, s7;
	s9 =	simm.s32 $0x2200  }
0xb: {  	s10 =	simm.s32 $0x6200;
	s5 =	sadd.s32 s5, s6;
	s6 =	smax.u32 s8, $0x1  }
0xc: {  	[dreg:$0x3] =	wrdreg s7;
	s7 =	simm.s32 $0x3;
	s8 =	simm.s32 $0x80  }
.LBB2_1:
0xd: {  	[tilespmem:s2], [sflag:$0x3] =	stream.linear.gather [hbm4b:s5+s2], $0x2200, $0x38;
	[tilespmem:$0x12200] =	vst v63  }
0xe: {  	_ =	swait.ge [sflag:s7], $0x2200  }
0xf: {  	[sflag:s7] =	ssyncset.done $0x0  }
0x10: {  	[sflag:s7] =	ssyncadd.s32 $0xFFFFDE00  }
0x11: {  	[tilespmem:s9], [sflag:$0x1] =	stream.indirect.gather [hbm4b:s3+s8], $0x80, s2, s8, $0xb8;
	[tilespmem:$0x12200] =	vst v63  }
0x12: {  	s16 =	simm.s32 $0x80  }
0x13: {  	[tilespmem:s10], [sflag:$0x1] =	stream.indirect.gather [hbm4b:s3+s8], $0x80, s16, s8, $0xb8;
	[tilespmem:$0x12200] =	vst v63  }
0x14: {  	s28 =	simm.s32 $0x100  }
0x15: {  	[tilespmem:s11], [sflag:$0x1] =	stream.indirect.gather [hbm4b:s3+s8], $0x80, s28, s8, $0xb8;
	[tilespmem:$0x12200] =	vst v63  }
0x16: {  	s29 =	simm.s32 $0x180  }
0x17: {  	[tilespmem:s12], [sflag:$0x1] =	stream.indirect.gather [hbm4b:s3+s8], $0x80, s29, s8, $0xb8;
	[tilespmem:$0x12200] =	vst v63  }
0x18: {  	_ =	swait.ge [sflag:s13], $0x4000  }
0x19: {  	[sflag:s13] =	ssyncset.done $0x0  }
0x1a: {  	[sflag:s13] =	ssyncadd.s32 $0xFFFFC000  }
0x1b: {  	_ =	swait.ge [sflag:s13], $0x4000  }
0x1c: {  	[sflag:s13] =	ssyncset.done $0x0  }
0x1d: {  	[sflag:s13] =	ssyncadd.s32 $0xFFFFC000  }
0x1e: {  	_ =	swait.ge [sflag:s13], $0x4000  }
0x1f: {  	[sflag:s13] =	ssyncset.done $0x0  }
0x20: {  	[sflag:s13] =	ssyncadd.s32 $0xFFFFC000  }
0x21: {  	_ =	swait.ge [sflag:s13], $0x4000  }
0x22: {  	s30 =	rddreg [dreg:$0x3]  }
0x23: {  	s16 =	sadd.s32 $0x0, s30  }
0x24: {  	s17 =	smin.u32 s16, $0x86B;
	s18 =	sadd.s32 $0x1, s16  }
0x25: {  	s20 =	sadd.s32 $0x3, s16;
	s19 =	smul.u32 $0xF33, s17;
	s18 =	smin.u32 s18, $0x86B  }
0x26: {  	s16 =	sadd.s32 $0x2, s16;
	s20 =	smin.u32 s20, $0x86B;
	s21 =	smul.u32 $0xF33, s18  }
0x27: {  	s16 =	smin.u32 s16, $0x86B;
	s22 =	smul.u32 $0xF33, s20  }
0x28: {  	s31 =	smul.u32 $0xF33, s16;
	s19 =	sshrl.u32 s19, $0x15  }
0x29: {  	s23 =	smul.u32 $0x1FFFDE5, s19  }
0x2a: {  	s21 =	sshrl.u32 s21, $0x15;
	s19 =	smul.u32 $0x11988, s19  }
0x2b: {  	s22 =	sshrl.u32 s22, $0x15;
	s24 =	smul.u32 $0x1FFFDE5, s21  }
0x2c: {  	[sflag:s13] =	ssyncset.done $0x0;
	s25 =	smul.u32 $0x1FFFDE5, s22  }
0x2d: {  	[sflag:s13] =	ssyncadd.s32 $0xFFFFC000;
	s21 =	smul.u32 $0x11988, s21  }
0x2e: {  	s22 =	smul.u32 $0x11988, s22;
	s17 =	sadd.s32 s17, s23;
	s23 =	sshrl.u32 s31, $0x15  }
0x2f: {  	s17 =	sshll.u32 s17, $0x7;
	s18 =	sadd.s32 s18, s24;
	s24 =	smul.u32 $0x1FFFDE5, s23  }
0x30: {  	s20 =	sadd.s32 s20, s25;
	p0 =	slt.s32 s17, $0x10CA8;
	s18 =	sshll.u32 s18, $0x7  }
0x31: {  	s26 =	smul.u32 $0x11988, s23;
	s17 =	simm.s32 @!p0 $0x10CA8;
	p0 =	slt.s32 s18, $0x10CA8  }
0x32: {  	s16 =	sadd.s32 s16, s24;
	s17 =	sadd.s32 s17, s19;
	s18 =	simm.s32 @!p0 $0x10CA8  }
0x33: {  	s19 =	sshll.u32 s20, $0x7;
	s16 =	sshll.u32 s16, $0x7;
	s17 =	sshll.u32 s17, $0x4  }
0x34: {  	s18 =	sadd.s32 s18, s21;
	p0 =	slt.s32 s16, $0x10CA8;
	s17 =	sadd.s32 s4, s17  }
0x35: {  	s16 =	simm.s32 @!p0 $0x10CA8;
	p0 =	slt.s32 s19, $0x10CA8;
	s18 =	sshll.u32 s18, $0x4  }
0x36: {  	s17 =	sadd.s32 $0x6300, s17;
	s19 =	simm.s32 @!p0 $0x10CA8;
	s16 =	sadd.s32 s16, s26  }
0x37: {  	s18 =	sadd.s32 s4, s18;
	s19 =	sadd.s32 s19, s22;
	s16 =	sshll.u32 s16, $0x4  }
0x38: {  	[hbm4b:s17+s2] =	stream.linear.scatter [tilespmem:s9], [sflag:$0x2], $0x4000, $0x38;
	[tilespmem:$0x12200] =	vst v63  }
0x39: {  	s28 =	sadd.s32 $0x6300, s18;
	s29 =	sshll.u32 s19, $0x4;
	s16 =	sadd.s32 s4, s16  }
0x3a: {  	[hbm4b:s28+s2] =	stream.linear.scatter [tilespmem:s10], [sflag:$0x2], $0x4000, $0x38;
	[tilespmem:$0x12200] =	vst v63  }
0x3b: {  	s30 =	sadd.s32 s4, s29;
	s16 =	sadd.s32 $0x6300, s16  }
0x3c: {  	[hbm4b:s16+s2] =	stream.linear.scatter [tilespmem:s11], [sflag:$0x2], $0x4000, $0x38;
	[tilespmem:$0x12200] =	vst v63  }
0x3d: {  	s31 =	sadd.s32 $0x6300, s30  }
0x3e: {  	[hbm4b:s31+s2] =	stream.linear.scatter [tilespmem:s12], [sflag:$0x2], $0x4000, $0x38;
	[tilespmem:$0x12200] =	vst v63  }
0x3f: {  	_ =	swait.ge [sflag:s14], $0x4000  }
0x40: {  	[sflag:s14] =	ssyncset.done $0x0  }
0x41: {  	[sflag:s14] =	ssyncadd.s32 $0xFFFFC000  }
0x42: {  	_ =	swait.ge [sflag:s14], $0x4000  }
0x43: {  	[sflag:s14] =	ssyncset.done $0x0  }
0x44: {  	[sflag:s14] =	ssyncadd.s32 $0xFFFFC000  }
0x45: {  	_ =	swait.ge [sflag:s14], $0x4000  }
0x46: {  	[sflag:s14] =	ssyncset.done $0x0  }
0x47: {  	[sflag:s14] =	ssyncadd.s32 $0xFFFFC000  }
0x48: {  	s18 =	simm.s32 $0x200;
	s17 =	simm.s32 $0x200;
	_ =	swait.ge [sflag:s14], $0x4000  }
0x49: {  	s19 =	simm.s32 $0x8;
	s16 =	simm.s32 $0x4;
	[sflag:s14] =	ssyncset.done $0x0  }
.LBB2_2:
0x4a: {  	[sflag:s14] =	ssyncadd.s32 $0xFFFFC000  }
0x4b: {  	[tilespmem:s9], [sflag:$0x1] =	stream.indirect.gather [hbm4b:s3+s8], $0x80, s17, s8, $0xb8;
	[tilespmem:$0x12200] =	vst v63  }
0x4c: {  	s20 =	sadd.s32 $0x80, s17  }
0x4d: {  	[tilespmem:s10], [sflag:$0x1] =	stream.indirect.gather [hbm4b:s3+s8], $0x80, s20, s8, $0xb8;
	[tilespmem:$0x12200] =	vst v63  }
0x4e: {  	s28 =	sadd.s32 $0x100, s17  }
0x4f: {  	[tilespmem:s11], [sflag:$0x1] =	stream.indirect.gather [hbm4b:s3+s8], $0x80, s28, s8, $0xb8;
	[tilespmem:$0x12200] =	vst v63  }
0x50: {  	s29 =	sadd.s32 $0x180, s17  }
0x51: {  	[tilespmem:s12], [sflag:$0x1] =	stream.indirect.gather [hbm4b:s3+s8], $0x80, s29, s8, $0xb8;
	[tilespmem:$0x12200] =	vst v63  }
0x52: {  	_ =	swait.ge [sflag:s13], $0x4000  }
0x53: {  	[sflag:s13] =	ssyncset.done $0x0  }
0x54: {  	[sflag:s13] =	ssyncadd.s32 $0xFFFFC000  }
0x55: {  	_ =	swait.ge [sflag:s13], $0x4000  }
0x56: {  	[sflag:s13] =	ssyncset.done $0x0  }
0x57: {  	[sflag:s13] =	ssyncadd.s32 $0xFFFFC000  }
0x58: {  	_ =	swait.ge [sflag:s13], $0x4000  }
0x59: {  	[sflag:s13] =	ssyncset.done $0x0  }
0x5a: {  	[sflag:s13] =	ssyncadd.s32 $0xFFFFC000  }
0x5b: {  	_ =	swait.ge [sflag:s13], $0x4000  }
0x5c: {  	s30 =	rddreg [dreg:$0x3]  }
0x5d: {  	s20 =	sadd.s32 s16, s30  }
0x5e: {  	s31 =	smin.u32 s20, $0x86B;
	s22 =	sadd.s32 $0x1, s20;
	s23 =	sadd.s32 $0x2, s20  }
0x5f: {  	s20 =	sadd.s32 $0x3, s20;
	s24 =	smul.u32 $0xF33, s31;
	s22 =	smin.u32 s22, $0x86B  }
0x60: {  	s20 =	smin.u32 s20, $0x86B;
	s25 =	smul.u32 $0xF33, s22  }
0x61: {  	s23 =	smin.u32 s23, $0x86B;
	s26 =	smul.u32 $0xF33, s20  }
0x62: {  	s30 =	smul.u32 $0xF33, s23;
	s24 =	sshrl.u32 s24, $0x15  }
0x63: {  	s28 =	smul.u32 $0x1FFFDE5, s24  }
0x64: {  	s25 =	sshrl.u32 s25, $0x15;
	s24 =	smul.u32 $0x11988, s24  }
0x65: {  	s21 =	smov.u32 s19;
	s29 =	smul.u32 $0x1FFFDE5, s25  }
0x66: {  	[sflag:s13] =	ssyncset.done $0x0;
	s26 =	sshrl.u32 s26, $0x15;
	s25 =	smul.u32 $0x11988, s25  }
0x67: {  	s16 =	smov.u32 s21;
	s21 =	sadd.s32 s31, s28;
	s28 =	smul.u32 $0x1FFFDE5, s26  }
0x68: {  	[sflag:s13] =	ssyncadd.s32 $0xFFFFC000;
	s31 =	smul.u32 $0x11988, s26;
	s21 =	sshll.u32 s21, $0x7  }
0x69: {  	s22 =	sadd.s32 s22, s29;
	s29 =	sshrl.u32 s30, $0x15;
	p1 =	slt.s32 s21, $0x10CA8  }
0x6a: {  	s22 =	sshll.u32 s22, $0x7;
	s20 =	sadd.s32 s20, s28;
	s28 =	smul.u32 $0x1FFFDE5, s29  }
0x6b: {  	s30 =	smul.u32 $0x11988, s29;
	s21 =	simm.s32 @!p1 $0x10CA8;
	p1 =	slt.s32 s22, $0x10CA8  }
0x6c: {  	s20 =	sshll.u32 s20, $0x7;
	s21 =	sadd.s32 s21, s24;
	s23 =	sadd.s32 s23, s28  }
0x6d: {  	s22 =	simm.s32 @!p1 $0x10CA8;
	p1 =	slt.s32 s20, $0x10CA8;
	s23 =	sshll.u32 s23, $0x7  }
0x6e: {  	s21 =	sshll.u32 s21, $0x4;
	s20 =	simm.s32 @!p1 $0x10CA8;
	p1 =	slt.s32 s23, $0x10CA8  }
0x6f: {  	s22 =	sadd.s32 s22, s25;
	s21 =	sadd.s32 s4, s21;
	s23 =	simm.s32 @!p1 $0x10CA8  }
0x70: {  	s22 =	sshll.u32 s22, $0x4;
	s21 =	sadd.s32 $0x6300, s21;
	s23 =	sadd.s32 s23, s30  }
0x71: {  	[hbm4b:s21+s2] =	stream.linear.scatter [tilespmem:s9], [sflag:$0x2], $0x4000, $0x38;
	[tilespmem:$0x12200] =	vst v63  }
0x72: {  	s20 =	sadd.s32 s20, s31;
	s22 =	sadd.s32 s4, s22;
	s23 =	sshll.u32 s23, $0x4  }
0x73: {  	s20 =	sshll.u32 s20, $0x4;
	s22 =	sadd.s32 $0x6300, s22;
	s31 =	sadd.s32 s4, s23  }
0x74: {  	[hbm4b:s22+s2] =	stream.linear.scatter [tilespmem:s10], [sflag:$0x2], $0x4000, $0x38;
	[tilespmem:$0x12200] =	vst v63  }
0x75: {  	s20 =	sadd.s32 s4, s20;
	s21 =	sadd.s32 $0x6300, s31  }
0x76: {  	[hbm4b:s21+s2] =	stream.linear.scatter [tilespmem:s11], [sflag:$0x2], $0x4000, $0x38;
	[tilespmem:$0x12200] =	vst v63  }
0x77: {  	s20 =	sadd.s32 $0x6300, s20  }
0x78: {  	[hbm4b:s20+s2] =	stream.linear.scatter [tilespmem:s12], [sflag:$0x2], $0x4000, $0x38;
	[tilespmem:$0x12200] =	vst v63  }
0x79: {  	_ =	swait.ge [sflag:s14], $0x4000  }
0x7a: {  	[sflag:s14] =	ssyncset.done $0x0  }
0x7b: {  	[sflag:s14] =	ssyncadd.s32 $0xFFFFC000  }
0x7c: {  	_ =	swait.ge [sflag:s14], $0x4000  }
0x7d: {  	[sflag:s14] =	ssyncset.done $0x0  }
0x7e: {  	p0 =	sne.s32 s19, $0x40;
	[sflag:s14] =	ssyncadd.s32 $0xFFFFC000  }
.Ltmp0:
0x7f: {  	_ =	swait.ge [sflag:s14], $0x4000;
	(pc) =	sbr.rel @p0 .LBB2_2-.Ltmp0, $4  }
0x80: {  	[sflag:s14] =	ssyncset.done $0x0  }
0x81: {  	[sflag:s14] =	ssyncadd.s32 $0xFFFFC000  }
0x82: {  	s18 =	sadd.s32 $0x200, s18;
	_ =	swait.ge [sflag:s14], $0x4000  }
0x83: {  	s19 =	sadd.s32 $0x4, s19;
	s17 =	smov.u32 s18;
	[sflag:s14] =	ssyncset.done $0x0  }
0x84: {  	[sflag:s14] =	ssyncadd.s32 $0xFFFFC000  }
0x85: {  	[tilespmem:s9], [sflag:$0x1] =	stream.indirect.gather [hbm4b:s3+s8], $0x80, s17, s8, $0xb8;
	[tilespmem:$0x12200] =	vst v63  }
0x86: {  	s18 =	sadd.s32 $0x80, s17  }
0x87: {  	[tilespmem:s10], [sflag:$0x1] =	stream.indirect.gather [hbm4b:s3+s8], $0x80, s18, s8, $0xb8;
	[tilespmem:$0x12200] =	vst v63  }
0x88: {  	s26 =	sadd.s32 $0x100, s17  }
0x89: {  	[tilespmem:s11], [sflag:$0x1] =	stream.indirect.gather [hbm4b:s3+s8], $0x80, s26, s8, $0xb8;
	[tilespmem:$0x12200] =	vst v63  }
0x8a: {  	s28 =	sadd.s32 $0x180, s17  }
0x8b: {  	[tilespmem:s12], [sflag:$0x1] =	stream.indirect.gather [hbm4b:s3+s8], $0x80, s28, s8, $0xb8;
	[tilespmem:$0x12200] =	vst v63  }
0x8c: {  	_ =	swait.ge [sflag:s13], $0x4000  }
0x8d: {  	[sflag:s13] =	ssyncset.done $0x0  }
0x8e: {  	[sflag:s13] =	ssyncadd.s32 $0xFFFFC000  }
0x8f: {  	_ =	swait.ge [sflag:s13], $0x4000  }
0x90: {  	[sflag:s13] =	ssyncset.done $0x0  }
0x91: {  	[sflag:s13] =	ssyncadd.s32 $0xFFFFC000  }
0x92: {  	_ =	swait.ge [sflag:s13], $0x4000  }
0x93: {  	[sflag:s13] =	ssyncset.done $0x0  }
0x94: {  	[sflag:s13] =	ssyncadd.s32 $0xFFFFC000  }
0x95: {  	_ =	swait.ge [sflag:s13], $0x4000  }
0x96: {  	s29 =	rddreg [dreg:$0x3]  }
0x97: {  	s16 =	sadd.s32 s16, s29  }
0x98: {  	s17 =	smin.u32 s16, $0x86B;
	s30 =	sadd.s32 $0x1, s16  }
0x99: {  	s20 =	sadd.s32 $0x3, s16;
	s19 =	smul.u32 $0xF33, s17;
	s18 =	smin.u32 s30, $0x86B  }
0x9a: {  	s16 =	sadd.s32 $0x2, s16;
	s20 =	smin.u32 s20, $0x86B;
	s21 =	smul.u32 $0xF33, s18  }
0x9b: {  	s16 =	smin.u32 s16, $0x86B;
	s22 =	smul.u32 $0xF33, s20  }
0x9c: {  	s31 =	smul.u32 $0xF33, s16;
	s19 =	sshrl.u32 s19, $0x15  }
0x9d: {  	s23 =	smul.u32 $0x1FFFDE5, s19  }
0x9e: {  	s21 =	sshrl.u32 s21, $0x15;
	s19 =	smul.u32 $0x11988, s19  }
0x9f: {  	s22 =	sshrl.u32 s22, $0x15;
	s24 =	smul.u32 $0x1FFFDE5, s21  }
0xa0: {  	[sflag:s13] =	ssyncset.done $0x0;
	s25 =	smul.u32 $0x1FFFDE5, s22  }
0xa1: {  	[sflag:s13] =	ssyncadd.s32 $0xFFFFC000;
	s21 =	smul.u32 $0x11988, s21  }
0xa2: {  	s22 =	smul.u32 $0x11988, s22;
	s17 =	sadd.s32 s17, s23;
	s23 =	sshrl.u32 s31, $0x15  }
0xa3: {  	s18 =	sadd.s32 s18, s24;
	s17 =	sshll.u32 s17, $0x7;
	s24 =	smul.u32 $0x1FFFDE5, s23  }
0xa4: {  	s20 =	sadd.s32 s20, s25;
	p0 =	slt.s32 s17, $0x10CA8;
	s18 =	sshll.u32 s18, $0x7  }
0xa5: {  	s26 =	smul.u32 $0x11988, s23;
	s17 =	simm.s32 @!p0 $0x10CA8;
	p0 =	slt.s32 s18, $0x10CA8  }
0xa6: {  	s16 =	sadd.s32 s16, s24;
	s17 =	sadd.s32 s17, s19;
	s18 =	simm.s32 @!p0 $0x10CA8  }
0xa7: {  	s19 =	sshll.u32 s20, $0x7;
	s16 =	sshll.u32 s16, $0x7;
	s17 =	sshll.u32 s17, $0x4  }
0xa8: {  	s18 =	sadd.s32 s18, s21;
	p0 =	slt.s32 s16, $0x10CA8;
	s17 =	sadd.s32 s4, s17  }
0xa9: {  	s16 =	simm.s32 @!p0 $0x10CA8;
	p0 =	slt.s32 s19, $0x10CA8;
	s18 =	sshll.u32 s18, $0x4  }
0xaa: {  	s17 =	sadd.s32 $0x6300, s17;
	s19 =	simm.s32 @!p0 $0x10CA8;
	s16 =	sadd.s32 s16, s26  }
0xab: {  	s18 =	sadd.s32 s4, s18;
	s19 =	sadd.s32 s19, s22;
	s16 =	sshll.u32 s16, $0x4  }
0xac: {  	[hbm4b:s17+s2] =	stream.linear.scatter [tilespmem:s9], [sflag:$0x2], $0x4000, $0x38;
	[tilespmem:$0x12200] =	vst v63  }
0xad: {  	s28 =	sadd.s32 $0x6300, s18;
	s29 =	sshll.u32 s19, $0x4;
	s16 =	sadd.s32 s4, s16  }
0xae: {  	[hbm4b:s28+s2] =	stream.linear.scatter [tilespmem:s10], [sflag:$0x2], $0x4000, $0x38;
	[tilespmem:$0x12200] =	vst v63  }
0xaf: {  	s30 =	sadd.s32 s4, s29;
	s16 =	sadd.s32 $0x6300, s16  }
0xb0: {  	[hbm4b:s16+s2] =	stream.linear.scatter [tilespmem:s11], [sflag:$0x2], $0x4000, $0x38;
	[tilespmem:$0x12200] =	vst v63  }
0xb1: {  	s31 =	sadd.s32 $0x6300, s30  }
0xb2: {  	[hbm4b:s31+s2] =	stream.linear.scatter [tilespmem:s12], [sflag:$0x2], $0x4000, $0x38;
	[tilespmem:$0x12200] =	vst v63  }
0xb3: {  	_ =	swait.ge [sflag:s14], $0x4000  }
0xb4: {  	[sflag:s14] =	ssyncset.done $0x0  }
0xb5: {  	[sflag:s14] =	ssyncadd.s32 $0xFFFFC000  }
0xb6: {  	_ =	swait.ge [sflag:s14], $0x4000  }
0xb7: {  	[sflag:s14] =	ssyncset.done $0x0  }
0xb8: {  	s15 =	sadd.s32 $0x1, s15;
	[sflag:s14] =	ssyncadd.s32 $0xFFFFC000  }
0xb9: {  	p0 =	sne.s32 s15, s6;
	_ =	swait.ge [sflag:s14], $0x4000  }
.Ltmp1:
0xba: {  	[sflag:s14] =	ssyncset.done $0x0;
	(pc) =	sbr.rel @p0 .LBB2_1-.Ltmp1, $4  }
0xbb: {  	[sflag:s14] =	ssyncadd.s32 $0xFFFFC000  }
0xbc: {  	_ =	swait.ge [sflag:s14], $0x4000  }
0xbd: {  	[sflag:s14] =	ssyncset.done $0x0  }
0xbe: {  	[sflag:s14] =	ssyncadd.s32 $0xFFFFC000  }
0xbf: {  	_ =	sfence.sel $0x180000  }
0xc0: {  	[bflag:$0x0] =	sbarrier.arrive $0xFFFF  }
0xc1: {  	p0 =	sne.s32 s1, $0x0;
	_ =	strace $0x90000047  }
0xc2: {  	s0 =	sadd.s32 @!p0 $0x100000, s0;
	[bflag:$0x2] =	sbarrier.arrive $0xFFFF  }
0xc3: {  	[sflag:s0] =	ssyncadd.tile.s32 @!p0 $0x1;
	_ =	shalt  }
.Lfunc_end2:
_tile_overlayer_lowered:
.L_overlay_start_2:
0xc4: {  	(tag) =	ssettag $0x2  }
0xc5: {  	s0 =	rddreg [dreg:$0x0];
	s2 =	stileid.u32  }
0xc6: {  	s1 =	rddreg [dreg:$0x1];
	p0 =	sne.s32 s2, $0x0  }
0xc7: {  	s3 =	rddreg [dreg:$0x2];
	[bflag:$0x3] =	sbarrier.arrive $0xFFFF;
	s2 =	simm.s32 @!p0 $0x1C03  }
0xc8: {  	[timem:s3], [sflag:s2] =	dma.local @!p0 [hbm:s0], s1  }
0xc9: {  	s0 =	simm.s32 @!p0 $0x3  }
0xca: {  	_ =	swait.ge @!p0 [sflag:s0], s1  }
0xcb: {  	s1 =	ssub.s32 @!p0 $0x0, s1;
	[sflag:s0] =	ssyncset.done @!p0 $0x0  }
0xcc: {  	[sflag:s0] =	ssyncadd.s32 @!p0 s1  }
0xcd: {  	[bflag:$0x3] =	sbarrier.arrive $0xFFFF  }
0xce: {  	_ =	shalt  }

// kernel: kernel.8.cloned.1.call-start
scs
__scs_entry_jumppad:
0x0: {  	(pc) =	sbr.rel $0x88, $3  }
0x1: {  	(tag) =	ssettag $0x0;
	lr =	simm.s32 $0x1  }
0x2: {  	[smem:$0x3F9E] =	sst lr;
	_ =	strace $0xD0000000  }
0x3: {  	_ = 	snop  }
0x4: {  	_ = 	snop  }
0x5: {  	_ = 	snop  }
0x6: {  	_ = 	snop  }
0x7: {  	_ = 	snop  }
__scs_overlays_trampoline_lowered:
0x8: {  	[smem:$0x3FAD] =	sst s0  }
0x9: {  	[smem:$0x3FAE] =	sst s1  }
0xa: {  	[smem:$0x3FAF] =	sst s2  }
0xb: {  	[smem:$0x3FB0] =	sst s3  }
0xc: {  	[smem:$0x3FB1] =	sst s4  }
0xd: {  	[smem:$0x3FB2] =	sst s5  }
0xe: {  	[smem:$0x3FB3] =	sst s6  }
0xf: {  	[smem:$0x3FB4] =	sst s7  }
0x10: {  	[smem:$0x3FB5] =	sst s8  }
0x11: {  	[smem:$0x3FB6] =	sst s9;
	s0 =	simm.s32 @!p0 $0x0  }
0x12: {  	s1 =	sld [smem:$0x3F9C];
	s0 =	simm.s32 @p0 $0x1  }
0x13: {  	[smem:$0x3FB7] =	sst s0;
	s0 =	simm.s32 @!p1 $0x0  }
0x14: {  	s2 =	sld [smem:$0x3F9B];
	s0 =	simm.s32 @p1 $0x1  }
0x15: {  	[smem:$0x3FB8] =	sst s0;
	s0 =	simm.s32 @!p2 $0x0  }
0x16: {  	s3 =	sld [smem:$0x3FDB];
	s0 =	simm.s32 @p2 $0x1  }
0x17: {  	s4 =	simm.s32 $0x1BF5;
	[smem:$0x3FBA] =	sst s0  }
0x18: {  	s0 =	sld [smem:$0x3F9D];
	_ =	swait.ge [sflag:s4], $0x0  }
0x19: {  	s7 =	sld [smem:$0x3F9E]  }
0x1a: {  	s8 =	sadd.s32 $0xFFFFE003, lr  }
0x1b: {  	s9 =	sadd.s32 $0xFFFFFEF7, lr;
	s5 =	simm.s32 $0xFFFFFFFF;
	p2 =	slt.u32 s8, $0xFFFFF086  }
0x1c: {  	p1 =	slt.u32 s9, $0xF7A;
	s5 =	simm.s32 @!p2 $0x0  }
0x1d: {  	s5 =	simm.s32 @p1 $0x1;
	p0 =	seq.s32 s7, s2  }
0x1e: {  	s7 =	smul.u32 @!p0 $0xF7A, s2;
	p2 =	seq.s32 @!p0 s5, $0x0  }
0x1f: {  	s9 =	smul.u32 $0xF7A, s1;
	s8 =	simm.s32 @!p0 $0x1BF5;
	p2 =	por !p2, p0  }
0x20: {  	[sflag:s8] =	ssyncset.s32 @!p0 $0xFFFFF086;
	s6 =	sadd.s32 @!p0 s3, s7;
	s7 =	simm.s32 @!p0 $0x108  }
0x21: {  	s3 =	sadd.s32 s3, s9;
	s6 =	sadd.s32 @!p0 $0x88, s6;
	s7 =	simm.s32 @p2 $0x1082  }
0x22: {  	[simem:s7], [sflag:s8] =	dma.local @!p0 [hbm:s6], $0xF7A  }
0x23: {  	s9 =	sor.u32 $0xD0000000, s2;
	s6 =	simm.s32 $0x108;
	_ =	swait.ge @!p0 [sflag:s8], $0x0  }
0x24: {  	s3 =	sadd.s32 $0x88, s3;
	s6 =	simm.s32 @!p1 $0x1082;
	[sflag:s4] =	ssyncset.s32 $0xFFFFF086  }
0x25: {  	[simem:s6], [sflag:s4] =	dma.local [hbm:s3], $0xF7A  }
0x26: {  	[smem:$0x3F9E] =	sst s1;
	(tag) =	ssettag s2;
	_ =	strace s9  }
0x27: {  	s1 =	sld [smem:$0x3FAE]  }
0x28: {  	s2 =	sld [smem:$0x3FAF]  }
0x29: {  	s4 =	sld [smem:$0x3FB1]  }
0x2a: {  	p0 =	seq.s32 s5, $0x0;
	s5 =	sld [smem:$0x3FB2]  }
0x2b: {  	s6 =	sld [smem:$0x3FB3]  }
0x2c: {  	s7 =	sld [smem:$0x3FB4]  }
0x2d: {  	s3 =	simm.s32 $0x108;
	s8 =	sld [smem:$0x3FB5]  }
0x2e: {  	s3 =	simm.s32 @!p0 $0x1082;
	s9 =	sld [smem:$0x3FB6]  }
0x2f: {  	lr =	sadd.s32 s0, s3;
	s0 =	sld [smem:$0x3FAD]  }
0x30: {  	s3 =	sld [smem:$0x3FB0]  }
0x31: {  	[smem:$0x3FB9] =	sst s10  }
0x32: {  	s10 =	sld [smem:$0x3FB7];
	_ =	sdelay $0x3  }
0x33: {  	p0 =	seq.s32 s10, $0x1;
	s10 =	sld [smem:$0x3FB9];
	_ =	sdelay $0x3  }
0x34: {  	[smem:$0x3FB9] =	sst s10  }
0x35: {  	s10 =	sld [smem:$0x3FB8];
	_ =	sdelay $0x3  }
0x36: {  	p1 =	seq.s32 s10, $0x1;
	s10 =	sld [smem:$0x3FB9];
	_ =	sdelay $0x3  }
0x37: {  	[smem:$0x3FB9] =	sst s10  }
0x38: {  	s10 =	sld [smem:$0x3FBA]  }
0x39: {  	_ = 	snop;
	(pc) =	sbr.ind lr, $3  }
0x3a: {  	_ = 	snop  }
0x3b: {  	_ = 	snop  }
0x3c: {  	p2 =	seq.s32 s10, $0x1;
	s10 =	sld [smem:$0x3FB9]  }
0x3d: {  	_ =	shalt  }
0x3e: {  	_ =	shalt  }
0x3f: {  	_ =	shalt  }
0x40: {  	_ =	shalt  }
0x41: {  	_ =	shalt  }
0x42: {  	_ =	shalt  }
0x43: {  	_ =	shalt  }
0x44: {  	_ =	shalt  }
0x45: {  	_ =	shalt  }
0x46: {  	_ =	shalt  }
0x47: {  	_ =	shalt  }
0x48: {  	_ =	shalt  }
0x49: {  	_ =	shalt  }
0x4a: {  	_ =	shalt  }
0x4b: {  	_ =	shalt  }
0x4c: {  	_ =	shalt  }
0x4d: {  	_ =	shalt  }
0x4e: {  	_ =	shalt  }
0x4f: {  	_ =	shalt  }
0x50: {  	_ =	shalt  }
0x51: {  	_ =	shalt  }
0x52: {  	_ =	shalt  }
0x53: {  	_ =	shalt  }
0x54: {  	_ =	shalt  }
0x55: {  	_ =	shalt  }
0x56: {  	_ =	shalt  }
0x57: {  	_ =	shalt  }
0x58: {  	_ =	shalt  }
0x59: {  	_ =	shalt  }
0x5a: {  	_ =	shalt  }
0x5b: {  	_ =	shalt  }
0x5c: {  	_ =	shalt  }
0x5d: {  	_ =	shalt  }
0x5e: {  	_ =	shalt  }
0x5f: {  	_ =	shalt  }
0x60: {  	_ =	shalt  }
0x61: {  	_ =	shalt  }
0x62: {  	_ =	shalt  }
0x63: {  	_ =	shalt  }
0x64: {  	_ =	shalt  }
0x65: {  	_ =	shalt  }
0x66: {  	_ =	shalt  }
0x67: {  	_ =	shalt  }
0x68: {  	_ =	shalt  }
0x69: {  	_ =	shalt  }
0x6a: {  	_ =	shalt  }
0x6b: {  	_ =	shalt  }
0x6c: {  	_ =	shalt  }
0x6d: {  	_ =	shalt  }
0x6e: {  	_ =	shalt  }
0x6f: {  	_ =	shalt  }
0x70: {  	_ =	shalt  }
0x71: {  	_ =	shalt  }
0x72: {  	_ =	shalt  }
0x73: {  	_ =	shalt  }
0x74: {  	_ =	shalt  }
0x75: {  	_ =	shalt  }
0x76: {  	_ =	shalt  }
0x77: {  	_ =	shalt  }
0x78: {  	_ =	shalt  }
0x79: {  	_ =	shalt  }
0x7a: {  	_ =	shalt  }
0x7b: {  	_ =	shalt  }
0x7c: {  	_ =	shalt  }
0x7d: {  	_ =	shalt  }
0x7e: {  	_ =	shalt  }
0x7f: {  	_ =	shalt  }
0x80: {  	_ =	shalt  }
0x81: {  	_ =	shalt  }
0x82: {  	_ =	shalt  }
0x83: {  	_ =	shalt  }
0x84: {  	_ =	shalt  }
0x85: {  	_ =	shalt  }
0x86: {  	_ =	shalt  }
0x87: {  	_ =	shalt  }
.Lfunc_end0:
.L_simem_size_0:
called_computation.2_lowered:
.L_overlay_start_0:
0x88: {  	s2 =	sld [smem:$0x3FD9]  }
0x89: {  	s3 =	sld [smem:$0x3FFE];
	_ =	sdelay $0x1  }
0x8a: {  	s1 =	srdreg.scid  }
0x8b: {  	s0 =	sand.u32 $0x1, s1  }
0x8c: {  	s17 =	sshll.u32 s0, $0xA;
	s2 =	sadd.s32 s3, s2  }
0x8d: {  	s2 =	sadd.s32 s2, s17  }
0x8e: {  	[smem:$0x3FC5] =	sst s2  }
0x8f: {  	_ = 	snop  }
0x90: {  	s2 =	sld [smem:$0x3FD0];
	(tm) =	ssettm $0x1  }
0x91: {  	s18 =	sld [smem:$0x3FFB];
	_ =	sdelay $0x3  }
0x92: {  	_ =	strace s18  }
0x93: {  	s3 =	sld [smem:$0x3FFC];
	_ =	sdelay $0x3  }
0x94: {  	_ =	strace s3  }
0x95: {  	s3 =	sld [smem:$0x3FFD];
	_ =	sdelay $0x3  }
0x96: {  	_ =	strace s3  }
0x97: {  	_ =	strace $0x8FFFFFFF  }
0x98: {  	s19 =	sld [smem:$0x3FDB];
	_ =	sdelay $0x1  }
0x99: {  	s4 =	simm.s32 $_scs_section_size  }
0x9a: {  	s5 =	simm.s32 $_size__tile_overlayer_lowered;
	s6 =	simm.s32 $_tile_overlayer_lowered  }
0x9b: {  	s22 =	simm.s32 $0x1BFF;
	s21 =	sshll.u32 s6, $0x1;
	s3 =	sadd.s32 s4, s19  }
0x9c: {  	s7 =	simm.s32 $0x0;
	s20 =	sshll.u32 s5, $0x1;
	s5 =	sadd.s32 s21, s3  }
0x9d: {  	[timem:s7], [sflag:s22] =	dma.local [hbm:s5], s20  }
0x9e: {  	_ =	swait.ge [sflag:s22], s20  }
0x9f: {  	s4 =	ssub.s32 $0x0, s20;
	[sflag:s22] =	ssyncset.done $0x0  }
0xa0: {  	[sflag:s22] =	ssyncadd.s32 s4;
	_ =	sdelay $0x1  }
0xa1: {  	s23 =	simm.s32 $0x1B8B  }
0xa2: {  	_ =	swait.ge [sflag:s23], $0x1  }
0xa3: {  	[sflag:s23] =	ssyncset.done $0x0  }
0xa4: {  	s25 =	simm.s32 $0x1B8E;
	s24 =	sld [smem:$0x3FFE];
	[sflag:s23] =	ssyncadd.s32 $0xFFFFFFFF  }
0xa5: {  	s26 =	simm.s32 $execute0_lowered;
	[smem:$0x3FD2] =	sst s25  }
0xa6: {  	s5 =	sshll.u32 s26, $0x1;
	_ =	strace $0x80000049;
	[dreg:$0x1] =	wrdreg $0xFFFFFFFF  }
0xa7: {  	s28 =	simm.s32 $_size_execute0_lowered;
	s3 =	sadd.s32 s3, s5;
	[dreg:$0x0] =	wrdreg $0x0  }
0xa8: {  	s5 =	sshll.u32 s28, $0x1;
	[dreg:$0x2] =	wrdreg s3  }
0xa9: {  	[dreg:$0x3] =	wrdreg s5  }
0xaa: {  	[dreg:$0x4] =	wrdreg $0xC0  }
0xab: {  	_ =	task [dreg:s7], $0x5FFFF  }
0xac: {  	[dreg:$0x1] =	wrdreg $0xFFFFFFFF  }
0xad: {  	[dreg:$0x0] =	wrdreg $0x60  }
0xae: {  	[dreg:$0x2] =	wrdreg s24  }
0xaf: {  	[dreg:$0x3] =	wrdreg s2  }
0xb0: {  	[dreg:$0x4] =	wrdreg $0x9  }
0xb1: {  	_ =	task.clear_ibuf [dreg:s7], $0x5FFFF;
	_ =	strace $0x90000049  }
0xb2: {  	s29 =	simm.s32 $0x9;
	_ =	strace $0x8000004B  }
0xb3: {  	_ =	swait.ge [sflag:s29], $0x1  }
0xb4: {  	[sflag:s29] =	ssyncadd.s32 $0xFFFFFFFF  }
0xb5: {  	_ =	strace $0x9000004B  }
0xb6: {  	_ =	sfence  }
0xb7: {  	s30 =	sld [smem:$0x0];
	_ =	sdelay $0x2  }
0xb8: {  	s31 =	sshll.u32 s1, $0xD;
	s1 =	sshrl.u32 s1, $0x2  }
0xb9: {  	s3 =	sand.u32 $0x4000, s31;
	s1 =	sadd.s32 s1, s30  }
0xba: {  	s0 =	sor.u32 s3, s0;
	s1 =	sshll.u32 s1, $0x11  }
0xbb: {  	s0 =	sor.u32 s1, s0  }
0xbc: {  	s0 =	sadd.s32 $0x8F2B, s0  }
0xbd: {  	[sflag:s0] =	ssyncadd.remote.s32 $0x1  }
0xbe: {  	_ =	sfence.sel $0xFFFF  }
0xbf: {  	[dreg:$0x0] =	wrdreg $0xFFFFFFFF;
	(pc) =	sbr.abs _section_cstart, $3  }
0xc0: {  	[dreg:$0x1] =	wrdreg $0xFFFFFFFF  }
0xc1: {  	_ =	task.clear_ibuf [dreg:s7], $0x2FFFF;
	_ =	strace $0x9FFFFFFF  }
0xc2: {  	(tm) =	ssettm $0x7FFFFFFF  }
0xc3: {  	_ =	shalt  }
tec
execute0_lowered:
.L_overlay_start_1:
0x0: {  	(tag) =	ssettag $0x1  }
0x1: {  	s6 =	rddreg [dreg:$0x0]  }
0x2: {  	s7 =	rddreg [dreg:$0x1]  }
0x3: {  	s0 =	rddreg [dreg:$0x2];
	s2 =	simm.s32 $0x0  }
0x4: {  	s3 =	srdreg.scid;
	s1 =	stileid.u32;
	s15 =	simm.s32 $0xDB00  }
0x5: {  	s16 =	simm.s32 $0x1;
	s17 =	simm.s32 $0x2;
	s18 =	simm.s32 $0x0  }
0x6: {  	[smem:$0x7FF] =	sst s2;
	s8 =	sand.u32 $0x1, s3;
	s30 =	sshll.u32 s1, $0x1  }
0x7: {  	s3 =	sadd.s32 $0x467A00, s6;
	s4 =	sadd.s32 $0x1A00, s6;
	s12 =	smul.u32 $0x68, s1  }
0x8: {  	s5 =	sadd.s32 $0x1800, s6;
	s6 =	sadd.s32 $0x1C00, s6;
	_ =	strace $0x8000004A  }
0x9: {  	s10 =	sor.u32 s8, s30;
	s11 =	ssub.s32 $0x2, s8;
	s14 =	smul.u32 $0x34, s8  }
0xa: {  	s9 =	smul.u32 $0x340, s10;
	s13 =	sshrl.u32 s11, $0x1;
	p0 =	sne.s32 s10, $0x0  }
0xb: {  	s10 =	simm.s32 $0x3;
	s31 =	ssub.s32 s11, s13;
	s11 =	simm.s32 $0x80  }
0xc: {  	s13 =	simm.s32 $0x5B00;
	s7 =	sadd.s32 s7, s9;
	s8 =	smax.u32 s31, $0x1  }
0xd: {  	s9 =	sadd.s32 s14, s12;
	s12 =	simm.s32 $0x1B00;
	s14 =	simm.s32 $0x9B00  }
.LBB2_1:
0xe: {  	[tilespmem:s2], [sflag:$0x3] =	stream.linear.gather [hbm4b:s7+s2], $0x1A00, $0x38;
	[tilespmem:$0x11B00] =	vst v63  }
0xf: {  	_ =	swait.ge [sflag:s10], $0x1A00  }
0x10: {  	s19 =	simm.s32 @!p0 $0x0;
	[sflag:s10] =	ssyncset.done $0x0  }
0x11: {  	s20 =	simm.s32 @!p0 $0x1A00;
	s21 =	simm.s32 @!p0 $0x3;
	[sflag:s10] =	ssyncadd.s32 $0xFFFFE600  }
0x12: {  	[tilespmem:s20], [sflag:$0x3] =	stream.linear.gather @!p0 [hbm4b:s4+s19], $0x80, $0x38;
	[tilespmem:$0x11B00] =	vst v63  }
0x13: {  	_ =	swait.ge @!p0 [sflag:s21], $0x80  }
0x14: {  	[sflag:s21] =	ssyncset.done @!p0 $0x0  }
0x15: {  	s22 =	simm.s32 @!p0 $0x1A80;
	[sflag:s21] =	ssyncadd.s32 @!p0 $0xFFFFFF80  }
0x16: {  	[tilespmem:s22], [sflag:$0x3] =	stream.linear.gather @!p0 [hbm4b:s5+s19], $0x80, $0x38;
	[tilespmem:$0x11B00] =	vst v63  }
0x17: {  	_ =	swait.ge @!p0 [sflag:s21], $0x80  }
0x18: {  	[sflag:s21] =	ssyncset.done @!p0 $0x0  }
0x19: {  	s19 =	simm.s32 @!p0 $0x80;
	[sflag:s21] =	ssyncadd.s32 @!p0 $0xFFFFFF80;
	s21 =	simm.s32 @!p0 $0x1B00  }
0x1a: {  	[tilespmem:s21], [sflag:$0x1] =	stream.indirect.gather @!p0 [hbm4b:s3+s19], $0x80, s20, s19, $0xb8;
	[tilespmem:$0x11B00] =	vst v63  }
0x1b: {  	s20 =	simm.s32 @!p0 $0x1  }
0x1c: {  	_ =	swait.ge @!p0 [sflag:s20], $0x4000  }
0x1d: {  	[sflag:s20] =	ssyncset.done @!p0 $0x0  }
0x1e: {  	[sflag:s20] =	ssyncadd.s32 @!p0 $0xFFFFC000  }
0x1f: {  	[hbm4b:s6+s19] =	stream.indirect.scatter @!p0 [tilespmem:s21], [sflag:$0x2], $0x80, s22, s19, $0xb8;
	[tilespmem:$0x11B00] =	vst v63  }
0x20: {  	s19 =	simm.s32 @!p0 $0x2  }
0x21: {  	_ =	swait.ge @!p0 [sflag:s19], $0x4000  }
0x22: {  	[sflag:s19] =	ssyncset.done @!p0 $0x0  }
0x23: {  	[sflag:s19] =	ssyncadd.s32 @!p0 $0xFFFFC000  }
0x24: {  	[tilespmem:s12], [sflag:$0x1] =	stream.indirect.gather [hbm4b:s3+s11], $0x80, s2, s11, $0xb8;
	[tilespmem:$0x11B00] =	vst v63  }
0x25: {  	s21 =	simm.s32 $0x80  }
0x26: {  	[tilespmem:s13], [sflag:$0x1] =	stream.indirect.gather [hbm4b:s3+s11], $0x80, s21, s11, $0xb8;
	[tilespmem:$0x11B00] =	vst v63  }
0x27: {  	s22 =	simm.s32 $0x100  }
0x28: {  	[tilespmem:s14], [sflag:$0x1] =	stream.indirect.gather [hbm4b:s3+s11], $0x80, s22, s11, $0xb8;
	[tilespmem:$0x11B00] =	vst v63  }
0x29: {  	s23 =	simm.s32 $0x180  }
0x2a: {  	[tilespmem:s15], [sflag:$0x1] =	stream.indirect.gather [hbm4b:s3+s11], $0x80, s23, s11, $0xb8;
	[tilespmem:$0x11B00] =	vst v63  }
0x2b: {  	_ =	swait.ge [sflag:s16], $0x4000  }
0x2c: {  	[sflag:s16] =	ssyncset.done $0x0  }
0x2d: {  	[sflag:s16] =	ssyncadd.s32 $0xFFFFC000  }
0x2e: {  	_ =	swait.ge [sflag:s16], $0x4000  }
0x2f: {  	[sflag:s16] =	ssyncset.done $0x0  }
0x30: {  	[sflag:s16] =	ssyncadd.s32 $0xFFFFC000  }
0x31: {  	s24 =	sadd.s32 $0x0, s9;
	_ =	swait.ge [sflag:s16], $0x4000  }
0x32: {  	s25 =	smin.u32 s24, $0x623;
	[sflag:s16] =	ssyncset.done $0x0  }
0x33: {  	s26 =	sadd.s32 $0x1, s24;
	s20 =	sshll.u32 s25, $0xB;
	[sflag:s16] =	ssyncadd.s32 $0xFFFFC000  }
0x34: {  	s28 =	sadd.s32 $0x2, s24;
	s20 =	sadd.s32 s6, s20;
	_ =	swait.ge [sflag:s16], $0x4000  }
0x35: {  	s19 =	sadd.s32 $0x3, s24;
	s21 =	smin.u32 s26, $0x623;
	[sflag:s16] =	ssyncset.done $0x0  }
0x36: {  	s21 =	sshll.u32 s21, $0xB;
	s22 =	smin.u32 s28, $0x623;
	[sflag:s16] =	ssyncadd.s32 $0xFFFFC000  }
0x37: {  	[hbm4b:s20+s2] =	stream.linear.scatter [tilespmem:s12], [sflag:$0x2], $0x4000, $0x38;
	[tilespmem:$0x11B00] =	vst v63  }
0x38: {  	s19 =	smin.u32 s19, $0x623;
	s29 =	sadd.s32 s6, s21;
	s30 =	sshll.u32 s22, $0xB  }
0x39: {  	[hbm4b:s29+s2] =	stream.linear.scatter [tilespmem:s13], [sflag:$0x2], $0x4000, $0x38;
	[tilespmem:$0x11B00] =	vst v63  }
0x3a: {  	s19 =	sshll.u32 s19, $0xB;
	s31 =	sadd.s32 s6, s30  }
0x3b: {  	[hbm4b:s31+s2] =	stream.linear.scatter [tilespmem:s14], [sflag:$0x2], $0x4000, $0x38;
	[tilespmem:$0x11B00] =	vst v63  }
0x3c: {  	s19 =	sadd.s32 s6, s19  }
0x3d: {  	[hbm4b:s19+s2] =	stream.linear.scatter [tilespmem:s15], [sflag:$0x2], $0x4000, $0x38;
	[tilespmem:$0x11B00] =	vst v63  }
0x3e: {  	_ =	swait.ge [sflag:s17], $0x4000  }
0x3f: {  	[sflag:s17] =	ssyncset.done $0x0  }
0x40: {  	[sflag:s17] =	ssyncadd.s32 $0xFFFFC000  }
0x41: {  	_ =	swait.ge [sflag:s17], $0x4000  }
0x42: {  	[sflag:s17] =	ssyncset.done $0x0  }
0x43: {  	[sflag:s17] =	ssyncadd.s32 $0xFFFFC000  }
0x44: {  	_ =	swait.ge [sflag:s17], $0x4000  }
0x45: {  	[sflag:s17] =	ssyncset.done $0x0  }
0x46: {  	s20 =	simm.s32 $0x0;
	s19 =	simm.s32 $0x4;
	[sflag:s17] =	ssyncadd.s32 $0xFFFFC000  }
.LBB2_2:
0x47: {  	p1 =	sne.s32 s19, $0x30;
	_ =	swait.ge [sflag:s17], $0x4000;
	s20 =	sadd.s32 $0x200, s20  }
0x48: {  	s21 =	smov.u32 s19;
	s19 =	sadd.s32 $0x4, s19;
	[sflag:s17] =	ssyncset.done $0x0  }
0x49: {  	[sflag:s17] =	ssyncadd.s32 $0xFFFFC000  }
0x4a: {  	[tilespmem:s12], [sflag:$0x1] =	stream.indirect.gather [hbm4b:s3+s11], $0x80, s20, s11, $0xb8;
	[tilespmem:$0x11B00] =	vst v63  }
0x4b: {  	s22 =	sadd.s32 $0x80, s20  }
0x4c: {  	[tilespmem:s13], [sflag:$0x1] =	stream.indirect.gather [hbm4b:s3+s11], $0x80, s22, s11, $0xb8;
	[tilespmem:$0x11B00] =	vst v63  }
0x4d: {  	s22 =	sadd.s32 $0x100, s20  }
0x4e: {  	[tilespmem:s14], [sflag:$0x1] =	stream.indirect.gather [hbm4b:s3+s11], $0x80, s22, s11, $0xb8;
	[tilespmem:$0x11B00] =	vst v63  }
0x4f: {  	s22 =	sadd.s32 $0x180, s20  }
0x50: {  	[tilespmem:s15], [sflag:$0x1] =	stream.indirect.gather [hbm4b:s3+s11], $0x80, s22, s11, $0xb8;
	[tilespmem:$0x11B00] =	vst v63  }
0x51: {  	_ =	swait.ge [sflag:s16], $0x4000  }
0x52: {  	[sflag:s16] =	ssyncset.done $0x0  }
0x53: {  	[sflag:s16] =	ssyncadd.s32 $0xFFFFC000  }
0x54: {  	_ =	swait.ge [sflag:s16], $0x4000  }
0x55: {  	[sflag:s16] =	ssyncset.done $0x0  }
0x56: {  	[sflag:s16] =	ssyncadd.s32 $0xFFFFC000  }
0x57: {  	s21 =	sadd.s32 s21, s9;
	_ =	swait.ge [sflag:s16], $0x4000  }
0x58: {  	s23 =	sadd.s32 $0x1, s21;
	s22 =	smin.u32 s21, $0x623;
	[sflag:s16] =	ssyncset.done $0x0  }
0x59: {  	s23 =	smin.u32 s23, $0x623;
	s22 =	sshll.u32 s22, $0xB;
	[sflag:s16] =	ssyncadd.s32 $0xFFFFC000  }
0x5a: {  	s23 =	sshll.u32 s23, $0xB;
	s22 =	sadd.s32 s6, s22;
	_ =	swait.ge [sflag:s16], $0x4000  }
0x5b: {  	s24 =	sadd.s32 $0x2, s21;
	s21 =	sadd.s32 $0x3, s21;
	[sflag:s16] =	ssyncset.done $0x0  }
0x5c: {  	s24 =	smin.u32 s24, $0x623;
	s21 =	smin.u32 s21, $0x623;
	[sflag:s16] =	ssyncadd.s32 $0xFFFFC000  }
0x5d: {  	[hbm4b:s22+s2] =	stream.linear.scatter [tilespmem:s12], [sflag:$0x2], $0x4000, $0x38;
	[tilespmem:$0x11B00] =	vst v63  }
0x5e: {  	s21 =	sshll.u32 s21, $0xB;
	s22 =	sadd.s32 s6, s23;
	s23 =	sshll.u32 s24, $0xB  }
0x5f: {  	[hbm4b:s22+s2] =	stream.linear.scatter [tilespmem:s13], [sflag:$0x2], $0x4000, $0x38;
	[tilespmem:$0x11B00] =	vst v63  }
0x60: {  	s21 =	sadd.s32 s6, s21;
	s22 =	sadd.s32 s6, s23  }
0x61: {  	[hbm4b:s22+s2] =	stream.linear.scatter [tilespmem:s14], [sflag:$0x2], $0x4000, $0x38;
	[tilespmem:$0x11B00] =	vst v63  }
0x62: {  	_ = 	snop  }
0x63: {  	[hbm4b:s21+s2] =	stream.linear.scatter [tilespmem:s15], [sflag:$0x2], $0x4000, $0x38;
	[tilespmem:$0x11B00] =	vst v63  }
0x64: {  	_ =	swait.ge [sflag:s17], $0x4000  }
0x65: {  	[sflag:s17] =	ssyncset.done $0x0  }
0x66: {  	[sflag:s17] =	ssyncadd.s32 $0xFFFFC000  }
0x67: {  	_ =	swait.ge [sflag:s17], $0x4000  }
.Ltmp0:
0x68: {  	[sflag:s17] =	ssyncset.done $0x0;
	(pc) =	sbr.rel @p1 .LBB2_2-.Ltmp0, $4  }
0x69: {  	[sflag:s17] =	ssyncadd.s32 $0xFFFFC000  }
0x6a: {  	_ =	swait.ge [sflag:s17], $0x4000  }
0x6b: {  	[sflag:s17] =	ssyncset.done $0x0  }
0x6c: {  	[sflag:s17] =	ssyncadd.s32 $0xFFFFC000  }
0x6d: {  	s18 =	sadd.s32 $0x1, s18  }
0x6e: {  	p1 =	sne.s32 s18, s8  }
.Ltmp1:
0x6f: {  	_ = 	snop;
	(pc) =	sbr.rel @p1 .LBB2_1-.Ltmp1, $4  }
0x70: {  	_ = 	snop  }
0x71: {  	_ =	swait.ge [sflag:s17], $0x4000  }
0x72: {  	[sflag:s17] =	ssyncset.done $0x0  }
0x73: {  	[sflag:s17] =	ssyncadd.s32 $0xFFFFC000  }
0x74: {  	_ =	sfence.sel $0x180000  }
0x75: {  	[bflag:$0x0] =	sbarrier.arrive $0xFFFF  }
0x76: {  	p0 =	sne.s32 s1, $0x0;
	_ =	strace $0x9000004A  }
0x77: {  	s0 =	sadd.s32 @!p0 $0x100000, s0;
	[bflag:$0x2] =	sbarrier.arrive $0xFFFF  }
0x78: {  	[sflag:s0] =	ssyncadd.tile.s32 @!p0 $0x1;
	_ =	shalt  }
.Lfunc_end2:
_tile_overlayer_lowered:
.L_overlay_start_2:
0x79: {  	(tag) =	ssettag $0x2  }
0x7a: {  	s0 =	rddreg [dreg:$0x0];
	s2 =	stileid.u32  }
0x7b: {  	s1 =	rddreg [dreg:$0x1];
	p0 =	sne.s32 s2, $0x0  }
0x7c: {  	s3 =	rddreg [dreg:$0x2];
	[bflag:$0x3] =	sbarrier.arrive $0xFFFF;
	s2 =	simm.s32 @!p0 $0x1C03  }
0x7d: {  	[timem:s3], [sflag:s2] =	dma.local @!p0 [hbm:s0], s1  }
0x7e: {  	s0 =	simm.s32 @!p0 $0x3  }
0x7f: {  	_ =	swait.ge @!p0 [sflag:s0], s1  }
0x80: {  	s1 =	ssub.s32 @!p0 $0x0, s1;
	[sflag:s0] =	ssyncset.done @!p0 $0x0  }
0x81: {  	[sflag:s0] =	ssyncadd.s32 @!p0 s1  }
0x82: {  	[bflag:$0x3] =	sbarrier.arrive $0xFFFF  }
0x83: {  	_ =	shalt  }

// kernel: sparse-core-data-format-call.cloned.1.call-start
scs
called_computation_lowered:
.L_overlay_start_0:
0x0: {  	s2 =	sld [smem:$0x3FD9]  }
0x1: {  	s3 =	sld [smem:$0x3FFE];
	_ =	sdelay $0x1  }
0x2: {  	s1 =	srdreg.scid  }
0x3: {  	s0 =	sand.u32 $0x1, s1  }
0x4: {  	s18 =	sshll.u32 s0, $0xA;
	s2 =	sadd.s32 s3, s2  }
0x5: {  	s2 =	sadd.s32 s2, s18  }
0x6: {  	[smem:$0x3FC5] =	sst s2  }
0x7: {  	_ = 	snop  }
0x8: {  	s2 =	sld [smem:$0x3FD0];
	(tm) =	ssettm $0x1  }
0x9: {  	s19 =	sld [smem:$0x3FFB];
	_ =	sdelay $0x3  }
0xa: {  	_ =	strace s19  }
0xb: {  	s3 =	sld [smem:$0x3FFC];
	_ =	sdelay $0x3  }
0xc: {  	_ =	strace s3  }
0xd: {  	s3 =	sld [smem:$0x3FFD];
	_ =	sdelay $0x3  }
0xe: {  	_ =	strace s3  }
0xf: {  	_ =	strace $0x8FFFFFFF  }
0x10: {  	s20 =	sld [smem:$0x3FDB];
	_ =	sdelay $0x1  }
0x11: {  	s4 =	simm.s32 $_scs_section_size  }
0x12: {  	s5 =	simm.s32 $_size__tile_overlayer_lowered;
	s6 =	simm.s32 $_tile_overlayer_lowered  }
0x13: {  	s23 =	simm.s32 $0x1BFF;
	s22 =	sshll.u32 s6, $0x1;
	s3 =	sadd.s32 s4, s20  }
0x14: {  	s7 =	simm.s32 $0x0;
	s21 =	sshll.u32 s5, $0x1;
	s5 =	sadd.s32 s22, s3  }
0x15: {  	[timem:s7], [sflag:s23] =	dma.local [hbm:s5], s21  }
0x16: {  	_ =	swait.ge [sflag:s23], s21  }
0x17: {  	s4 =	ssub.s32 $0x0, s21;
	[sflag:s23] =	ssyncset.done $0x0  }
0x18: {  	[sflag:s23] =	ssyncadd.s32 s4;
	_ =	sdelay $0x1  }
0x19: {  	s24 =	simm.s32 $0x1B8B  }
0x1a: {  	_ =	swait.ge [sflag:s24], $0x1  }
0x1b: {  	[sflag:s24] =	ssyncset.done $0x0  }
0x1c: {  	s26 =	simm.s32 $0x1B8E;
	s25 =	sld [smem:$0x3FFE];
	[sflag:s24] =	ssyncadd.s32 $0xFFFFFFFF  }
0x1d: {  	s27 =	simm.s32 $execute0_lowered;
	[smem:$0x3FD2] =	sst s26  }
0x1e: {  	s5 =	sshll.u32 s27, $0x1;
	_ =	strace $0x8000004C;
	[dreg:$0x1] =	wrdreg $0xFFFFFFFF  }
0x1f: {  	s28 =	simm.s32 $_size_execute0_lowered;
	s3 =	sadd.s32 s3, s5;
	[dreg:$0x0] =	wrdreg $0x0  }
0x20: {  	s5 =	sshll.u32 s28, $0x1;
	[dreg:$0x2] =	wrdreg s3  }
0x21: {  	[dreg:$0x3] =	wrdreg s5  }
0x22: {  	[dreg:$0x4] =	wrdreg $0xC0  }
0x23: {  	_ =	task [dreg:s7], $0x5FFFF  }
0x24: {  	[dreg:$0x1] =	wrdreg $0xFFFFFFFF  }
0x25: {  	[dreg:$0x0] =	wrdreg $0x60  }
0x26: {  	[dreg:$0x2] =	wrdreg s25  }
0x27: {  	[dreg:$0x3] =	wrdreg s2  }
0x28: {  	[dreg:$0x4] =	wrdreg $0x9  }
0x29: {  	_ =	task.clear_ibuf [dreg:s7], $0x5FFFF;
	_ =	strace $0x9000004C  }
0x2a: {  	s29 =	simm.s32 $0x9;
	_ =	strace $0x8000004E  }
0x2b: {  	_ =	swait.ge [sflag:s29], $0x1  }
0x2c: {  	[sflag:s29] =	ssyncadd.s32 $0xFFFFFFFF  }
0x2d: {  	_ =	strace $0x9000004E  }
0x2e: {  	_ =	sfence  }
0x2f: {  	s30 =	sld [smem:$0x0];
	_ =	sdelay $0x2  }
0x30: {  	s31 =	sshll.u32 s1, $0xD;
	s1 =	sshrl.u32 s1, $0x2  }
0x31: {  	s3 =	sand.u32 $0x4000, s31;
	s1 =	sadd.s32 s1, s30  }
0x32: {  	s0 =	sor.u32 s3, s0;
	s1 =	sshll.u32 s1, $0x11  }
0x33: {  	s0 =	sor.u32 s1, s0  }
0x34: {  	s0 =	sadd.s32 $0x8F2B, s0  }
0x35: {  	[sflag:s0] =	ssyncadd.remote.s32 $0x1  }
0x36: {  	_ =	sfence.sel $0xFFFF  }
0x37: {  	[dreg:$0x0] =	wrdreg $0xFFFFFFFF;
	(pc) =	sbr.abs _section_cstart, $3  }
0x38: {  	[dreg:$0x1] =	wrdreg $0xFFFFFFFF  }
0x39: {  	_ =	task.clear_ibuf [dreg:s7], $0x2FFFF;
	_ =	strace $0x9FFFFFFF  }
0x3a: {  	(tm) =	ssettm $0x7FFFFFFF  }
0x3b: {  	_ =	shalt  }
tec
execute0_lowered:
.L_overlay_start_1:
0x0: {  	(tag) =	ssettag $0x1  }
0x1: {  	s0 =	rddreg [dreg:$0x0]  }
0x2: {  	s2 =	rddreg [dreg:$0x1];
	s6 =	stileid.u32  }
0x3: {  	s1 =	srdreg.scid;
	_ =	strace $0x8000004D;
	s5 =	simm.s32 $0x1  }
0x4: {  	s31 =	simm.s32 $0x2;
	s18 =	simm.s32 $0x0;
	s9 =	simm.s32 $0x80  }
0x5: {  	s10 =	simm.s32 $0x200;
	s11 =	simm.s32 $0x0;
	s17 =	simm.s32 $0x0  }
0x6: {  	s12 =	simm.s32 $0x0;
	s3 =	sshll.u32 s6, $0x5;
	s1 =	sshll.u32 s1, $0x9  }
.Ltmp0:
0x7: {  	s13 =	simm.s32 $0x0;
	s1 =	sor.u32 s3, s1;
	(pc) =	sbr.rel .LBB1_1-.Ltmp0, $4  }
0x8: {  	s16 =	simm.s32 $0x0;
	s25 =	simm.s32 $0x0;
	s4 =	sand.u32 $0x380, s1  }
0x9: {  	[sflag:s5] =	ssyncpa.u1 $0x0;
	s6 =	sand.u32 $0x3, s6;
	s1 =	ssub.s32 $0xC480, s4  }
0xa: {  	s3 =	sadd.s32 $0x313E00, s0;
	[sflag:s31] =	ssyncpa.u1 $0x0;
	s7 =	sshrl.u32 s1, $0xA  }
0xb: {  	s15 =	smov.u32 s6;
	s14 =	smov.u32 s4;
	s8 =	sor.u32 $0x2, s7  }
.LBB1_11:
0xc: {  	p0 =	sgt.s32 s12, $0xC407;
	s0 =	smov.u32 s12  }
0xd: {  	s0 =	simm.s32 @!p0 $0xC407  }
0xe: {  	s0 =	sadd.s32 s19, s0  }
0xf: {  	s1 =	sadd.s32 $0xFFFF3BF9, s0  }
0x10: {  	s0 =	ssub.s32 $0xC487, s0;
	p0 =	sgt.s32 s1, $0x7F  }
0x11: {  	s29 =	sshll.u32 s13, $0x4;
	s0 =	simm.s32 @p0 $0x0  }
0x12: {  	s1 =	sand.u32 $0x30, s29;
	s0 =	smul.u32 s0, s20  }
0x13: {  	s30 =	sshll.u32 s12, $0x6;
	s1 =	sadd.s32 s2, s1  }
0x14: {  	s31 =	sor.u32 $0x8000, s21;
	s1 =	sadd.s32 s30, s1;
	s0 =	sand.u32 $0x3FFFFF80, s0  }
0x15: {  	[hbm4b:s1+s9] =	stream.strided.scatter [tilespmem:s31], [sflag:$0x2], s0, s10, s9, $0x38;
	[tilespmem:$0x10000] =	vst v63  }
.LBB1_12:
0x16: {  	p0 =	slt.u32 s16, $0x2  }
0x17: {  	p1 =	sgt.s32 @!p0 s18, $0xC407  }
0x18: {  	s0 =	smov.u32 s18;
	s1 =	sshra.s32 @!p0 s18, $0x1F;
	p1 =	por !p1, p0  }
0x19: {  	s19 =	sshra.s32 @!p0 s17, $0x1F;
	s0 =	simm.s32 @p1 $0xC407;
	p1 =	sgt.s32 @!p0 s17, $0x3  }
0x1a: {  	s1 =	sand.u32 @!p0 s1, s18;
	s18 =	smov.u32 s17;
	p1 =	por !p1, p0  }
0x1b: {  	s0 =	ssub.s32 @!p0 s0, s1;
	s1 =	sand.u32 @!p0 s19, s17;
	s18 =	simm.s32 @p1 $0x3  }
0x1c: {  	s1 =	ssub.s32 @!p0 s18, s1  }
0x1d: {  	s17 =	sadd.s32 @!p0 $0xFFFF3BF9, s0;
	s0 =	ssub.s32 @!p0 $0xC487, s0;
	s1 =	sadd.s32 @!p0 $0xFFFFFFFD, s1  }
0x1e: {  	p1 =	sgt.s32 @!p0 s17, $0x7F;
	p2 =	sgt.s32 @!p0 s1, $0x0;
	s1 =	sshll.u32 @!p0 s1, $0x7  }
0x1f: {  	p1 =	por !p1, p0;
	s1 =	ssub.s32 @!p0 $0x80, s1;
	p2 =	por !p2, p0  }
0x20: {  	s0 =	simm.s32 @!p1 $0x0;
	s1 =	simm.s32 @!p2 $0x0  }
0x21: {  	s0 =	smul.u32 @!p0 s0, s1;
	s1 =	sadd.s32 $0x400, s14  }
0x22: {  	s20 =	smov.u32 s15;
	s17 =	sadd.s32 $0x4, s15;
	p1 =	sgt.s32 s1, $0xC486  }
0x23: {  	s20 =	smov.u32 @p1 s17  }
0x24: {  	s1 =	smov.u32 @p1 s4;
	p1 =	sgt.s32 s20, $0x3  }
0x25: {  	s20 =	smov.u32 @p1 s6;
	p1 =	sne.s32 s16, s8  }
.Ltmp1:
0x26: {  	s11 =	sadd.s32 $0x4000, s11;
	s19 =	simm.s32 @!p0 $0x2;
	(pc) =	sbr.rel @!p1 .LBB1_13-.Ltmp1, $4  }
0x27: {  	s18 =	smov.u32 s12;
	s12 =	smov.u32 s14;
	s0 =	sand.u32 @!p0 $0x3FFFFF80, s0  }
0x28: {  	s17 =	smov.u32 s13;
	s13 =	smov.u32 s15;
	_ =	swait.ge @!p0 [sflag:s19], s0  }
0x29: {  	s0 =	ssub.s32 @!p0 $0x0, s0;
	s14 =	smov.u32 s1;
	[sflag:s19] =	ssyncset.done @!p0 $0x0  }
0x2a: {  	s16 =	sadd.s32 $0x1, s16;
	[sflag:s19] =	ssyncadd.s32 @!p0 s0;
	s15 =	smov.u32 s20  }
.LBB1_1:
0x2b: {  	p0 =	sgt.u32 s16, s7;
	s1 =	smov.u32 s15  }
0x2c: {  	s21 =	smov.u32 s14;
	p1 =	sgt.s32 @!p0 s15, $0x3;
	s0 =	sand.u32 @!p0 $0x1FFFFFF, s14  }
0x2d: {  	s20 =	sshra.s32 @!p0 s15, $0x1F;
	s22 =	sshra.s32 @!p0 s14, $0x1F;
	p1 =	por !p1, p0  }
0x2e: {  	s19 =	smulhi.u32 @!p0 $0x14D76A9, s0;
	s1 =	simm.s32 @p1 $0x3;
	p1 =	sgt.s32 @!p0 s14, $0xC408  }
0x2f: {  	s20 =	sand.u32 @!p0 s20, s15;
	s22 =	sand.u32 @!p0 s22, s14;
	p1 =	por !p1, p0  }
0x30: {  	s1 =	ssub.s32 @!p0 s1, s20;
	s19 =	sshrl.u32 @!p0 s19, $0x8;
	s21 =	simm.s32 @p1 $0xC408  }
0x31: {  	s1 =	sadd.s32 @!p0 $0xFFFFFFFD, s1;
	s19 =	smul.u32 @!p0 $0xC488, s19;
	s20 =	ssub.s32 @!p0 s21, s22  }
0x32: {  	p1 =	sgt.s32 @!p0 s1, $0x0;
	s1 =	sshll.u32 @!p0 s1, $0x7;
	s21 =	sadd.s32 @!p0 $0xFFFF3BF8, s20  }
0x33: {  	s22 =	smul.u32 @!p0 $0xC4880, s15;
	s20 =	ssub.s32 @!p0 $0xC488, s20;
	p2 =	sgt.s32 @!p0 s21, $0x7F  }
0x34: {  	s1 =	ssub.s32 @!p0 $0x80, s1;
	p1 =	por !p1, p0;
	p2 =	por !p2, p0  }
0x35: {  	s21 =	sxor.u32 @!p0 $0xFFFFFFFF, s16;
	s1 =	simm.s32 @!p1 $0x0;
	s20 =	simm.s32 @!p2 $0x0  }
0x36: {  	s0 =	ssub.s32 @!p0 s0, s19;
	s19 =	sshll.u32 @!p0 s21, $0xE;
	s1 =	smul.u32 @!p0 s20, s1  }
0x37: {  	s0 =	sshll.u32 @!p0 s0, $0x4;
	s19 =	sand.u32 @!p0 $0x4000, s19;
	s20 =	sadd.s32 @!p0 s3, s22  }
0x38: {  	s0 =	sadd.s32 @!p0 s0, s20;
	s20 =	simm.s32 @!p0 $0x0;
	s1 =	sand.u32 @!p0 $0x3FFFFF80, s1  }
0x39: {  	[tilespmem:s19], [sflag:$0x1] =	stream.linear.gather @!p0 [hbm4b:s0+s20], s1, $0x38;
	[tilespmem:$0x10000] =	vst v63  }
0x3a: {  	p0 =	seq.s32 s16, $0x0  }
0x3b: {  	p1 =	sge.u32 @!p0 s16, s8  }
0x3c: {  	p0 =	por p0, p1  }
.Ltmp2:
0x3d: {  	_ = 	snop;
	(pc) =	sbr.rel @p0 .LBB1_12-.Ltmp2, $1  }
0x3e: {  	_ =	sdelay $0x3  }
0x3f: {  	p0 =	sgt.s32 s13, $0x3;
	s0 =	smov.u32 s13;
	s1 =	sshra.s32 s13, $0x1F  }
0x40: {  	s19 =	ssub.s32 $0x0, s12;
	s0 =	simm.s32 @!p0 $0x3;
	s1 =	sand.u32 s1, s13  }
0x41: {  	s20 =	sshra.s32 s12, $0x1F;
	s21 =	smov.u32 s12;
	s0 =	ssub.s32 s0, s1  }
0x42: {  	p0 =	sgt.s32 s12, $0xC408;
	s19 =	sand.u32 s19, s20;
	s0 =	sadd.s32 $0xFFFFFFFD, s0  }
0x43: {  	s21 =	simm.s32 @!p0 $0xC408;
	p0 =	sgt.s32 s0, $0x0;
	s0 =	sshll.u32 s0, $0x7  }
0x44: {  	s28 =	sadd.s32 s19, s21;
	s20 =	ssub.s32 $0x80, s0;
	s0 =	sadd.s32 $0x1, s13  }
0x45: {  	s21 =	sadd.s32 $0x80, s12;
	s20 =	simm.s32 @p0 $0x0;
	p0 =	slt.s32 s0, $0x4  }
0x46: {  	s29 =	sadd.s32 $0xFFFF3BF8, s28;
	s0 =	simm.s32 @!p0 $0x4;
	p0 =	slt.s32 s21, $0xC487  }
0x47: {  	s1 =	ssub.s32 $0xC488, s28;
	s22 =	ssub.s32 s0, s13;
	s21 =	simm.s32 @!p0 $0xC487  }
0x48: {  	p1 =	sgt.s32 s29, $0x7F;
	s23 =	ssub.s32 s21, s12;
	p0 =	slt.s32 s22, $0x1  }
0x49: {  	s1 =	simm.s32 @p1 $0x0;
	p1 =	slt.s32 @!p0 s23, $0x1  }
0x4a: {  	s1 =	smul.u32 s1, s20;
	p0 =	por p0, p1  }
.Ltmp3:
0x4b: {  	_ = 	snop;
	(pc) =	sbr.rel @p0 .LBB1_11-.Ltmp3, $4  }
0x4c: {  	s30 =	sand.u32 $0x3FFFFF80, s1  }
0x4d: {  	_ =	swait.ge [sflag:s5], s30  }
0x4e: {  	s31 =	sshll.u32 s16, $0xE;
	s1 =	ssub.s32 $0x0, s30;
	[sflag:s5] =	ssyncset.done $0x0  }
0x4f: {  	s21 =	sand.u32 $0x4000, s31;
	[sflag:s5] =	ssyncadd.s32 s1  }
0x50: {  	s0 =	sshll.u32 s11, $0x2  }
0x51: {  	s0 =	sand.u32 $0x10000, s0  }
0x52: {  	s0 =	sshrl.u32 s0, $0x2  }
0x53: {  	s26 =	simm.s32 $0x0;
	s27 =	simm.s32 $0x0;
	s24 =	sadd.s32 $0x8040, s0  }
.LBB1_4:
0x54: {  	s0 =	sshll.u32 s27, $0x10  }
0x55: {  	s0 =	sshra.s32 s0, $0x2  }
0x56: {  	p1 =	sne.s32 s23, $0x1;
	s0 =	sadd.s32 s0, s21  }
.Ltmp4:
0x57: {  	v0 =	vmov s0;
	(pc) =	sbr.rel @!p1 .LBB1_5-.Ltmp4, $3  }
0x58: {  	_ =	sdelay $0x1  }
0x59: {  	s1 =	sand.u32 $0x180, s26;
	s30 =	sand.u32 $0x3F80, s25  }
0x5a: {  	p0 =	por $0x0, $0x0;
	s28 =	sadd.s32 s1, s24;
	s1 =	sadd.s32 $0xFFFFFFFF, s23  }
0x5b: {  	_ =	sdelay $0x3  }
0x5c: {  	v6 =	vld.idx.msk [tilespmem:v0+s30+$0x70 ss:$0x1], $0xffff  }
0x5d: {  	v7 =	vld.idx.msk [tilespmem:v0+s30+$0x0 ss:$0x1], $0xffff  }
0x5e: {  	v1 =	vld.idx.msk [tilespmem:v0+s30+$0x10 ss:$0x1], $0xffff;
	p1 =	sne.s32 s1, $0x1  }
.Ltmp5:
0x5f: {  	v2 =	vld.idx.msk [tilespmem:v0+s30+$0x20 ss:$0x1], $0xffff;
	(pc) =	sbr.rel @!p1 .LBB1_7-.Ltmp5, $4  }
0x60: {  	v3 =	vld.idx.msk [tilespmem:v0+s30+$0x30 ss:$0x1], $0xffff  }
0x61: {  	v4 =	vld.idx.msk [tilespmem:v0+s30+$0x40 ss:$0x1], $0xffff  }
0x62: {  	v5 =	vld.idx.msk [tilespmem:v0+s30+$0x50 ss:$0x1], $0xffff;
	s0 =	simm.s32 $0x80;
	s1 =	sadd.s32 $0xFFFFFFFF, s1;
	[tilespmem:s28+$0x30] =	vst v6  }
0x63: {  	p0 =	por $0x1, $0x1;
	s29 =	smov.u32 s28;
	s31 =	sand.u32 $0x3F80, s0;
	[tilespmem:s28+$0xFFFFFFC0] =	vst v7;
	v6 =	vld.idx.msk [tilespmem:v0+s30+$0x60 ss:$0x1], $0xffff  }
.LBB1_8:
0x64: {  	p1 =	sne.s32 s1, $0x1;
	v7 =	vld.idx.msk [tilespmem:v0+s31+$0x70 ss:$0x1], $0xffff;
	[tilespmem:s29+$0xFFFFFFD0] =	vst v1  }
0x65: {  	v8 =	vld.idx.msk [tilespmem:v0+s31+$0x0 ss:$0x1], $0xffff;
	[tilespmem:s29+$0xFFFFFFE0] =	vst v2  }
0x66: {  	v1 =	vld.idx.msk [tilespmem:v0+s31+$0x10 ss:$0x1], $0xffff;
	[tilespmem:s29+$0xFFFFFFF0] =	vst v3  }
.Ltmp6:
0x67: {  	v2 =	vld.idx.msk [tilespmem:v0+s31+$0x20 ss:$0x1], $0xffff;
	[tilespmem:s29+$0x0] =	vst v4;
	(pc) =	sbr.rel @p1 .LBB1_8-.Ltmp6, $4  }
0x68: {  	v3 =	vld.idx.msk [tilespmem:v0+s31+$0x30 ss:$0x1], $0xffff;
	[tilespmem:s29+$0x10] =	vst v5  }
0x69: {  	v4 =	vld.idx.msk [tilespmem:v0+s31+$0x40 ss:$0x1], $0xffff;
	[tilespmem:s29+$0x20] =	vst v6;
	s29 =	sadd.s32 $0x80, s29  }
0x6a: {  	s0 =	sadd.s32 $0x80, s0;
	v5 =	vld.idx.msk [tilespmem:v0+s31+$0x50 ss:$0x1], $0xffff;
	[tilespmem:s29+$0x30] =	vst v7  }
0x6b: {  	s1 =	sadd.s32 $0xFFFFFFFF, s1;
	[tilespmem:s29+$0xFFFFFFC0] =	vst v8;
	v6 =	vld.idx.msk [tilespmem:v0+s31+$0x60 ss:$0x1], $0xffff;
	s31 =	sand.u32 $0x3F80, s0  }
0x6c: {  	s30 =	smov.u32 s31  }
.LBB1_10:
0x6d: {  	_ =	sdelay $0x2  }
0x6e: {  	[tilespmem:s29+$0xFFFFFFD0] =	vst @p0 v1  }
0x6f: {  	v56 =	vld.idx.msk [tilespmem:v0+s30+$0x70 ss:$0x1], $0xffff;
	[tilespmem:s29+$0xFFFFFFE0] =	vst @p0 v2  }
0x70: {  	v57 =	vld.idx.msk [tilespmem:v0+s30+$0x0 ss:$0x1], $0xffff;
	[tilespmem:s29+$0xFFFFFFF0] =	vst @p0 v3  }
0x71: {  	v58 =	vld.idx.msk [tilespmem:v0+s30+$0x10 ss:$0x1], $0xffff;
	[tilespmem:s29+$0x0] =	vst @p0 v4  }
0x72: {  	v59 =	vld.idx.msk [tilespmem:v0+s30+$0x20 ss:$0x1], $0xffff;
	s0 =	sadd.s32 @p0 $0x80, s29;
	[tilespmem:s29+$0x10] =	vst @p0 v5  }
0x73: {  	v60 =	vld.idx.msk [tilespmem:v0+s30+$0x30 ss:$0x1], $0xffff;
	s28 =	smov.u32 @p0 s0;
	[tilespmem:s29+$0x20] =	vst @p0 v6  }
0x74: {  	v61 =	vld.idx.msk [tilespmem:v0+s30+$0x40 ss:$0x1], $0xffff;
	[tilespmem:s28+$0x30] =	vst v56  }
0x75: {  	v62 =	vld.idx.msk [tilespmem:v0+s30+$0x50 ss:$0x1], $0xffff;
	s27 =	sadd.s32 $0x1, s27;
	[tilespmem:s28+$0xFFFFFFC0] =	vst v57  }
0x76: {  	v63 =	vld.idx.msk [tilespmem:v0+s30+$0x60 ss:$0x1], $0xffff;
	p0 =	sne.s32 s27, s22;
	[tilespmem:s28+$0xFFFFFFD0] =	vst v58  }
.Ltmp7:
0x77: {  	[tilespmem:s28+$0xFFFFFFE0] =	vst v59;
	(pc) =	sbr.rel @p0 .LBB1_4-.Ltmp7, $4  }
.Ltmp8:
0x78: {  	[tilespmem:s28+$0xFFFFFFF0] =	vst v60;
	(pc) =	sbr.rel @!p0 .LBB1_11-.Ltmp8, $4  }
0x79: {  	[tilespmem:s28+$0x0] =	vst v61  }
0x7a: {  	[tilespmem:s28+$0x10] =	vst v62  }
0x7b: {  	s26 =	sadd.s32 $0x80, s26;
	[tilespmem:s28+$0x20] =	vst v63  }
0x7c: {  	_ = 	snop  }
.LBB1_5:
.Ltmp9:
0x7d: {  	(pc) =	sbr.rel .LBB1_10-.Ltmp9, $2  }
0x7e: {  	_ =	sdelay $0x2  }
0x7f: {  	s29 =	smov.u32 s28  }
.LBB1_7:
.Ltmp10:
0x80: {  	(pc) =	sbr.rel .LBB1_10-.Ltmp10, $2  }
0x81: {  	_ =	sdelay $0x2  }
0x82: {  	s30 =	smov.u32 s31;
	s29 =	smov.u32 s28  }
.LBB1_13:
0x83: {  	_ =	sfence.sel $0x180000  }
0x84: {  	s0 =	simm.s32 $0x1;
	[bflag:$0x0] =	sbarrier.arrive $0xFFFF  }
0x85: {  	s30 =	simm.s32 $0x2;
	[sflag:s0] =	ssyncpa.u1 $0x1  }
0x86: {  	[sflag:s30] =	ssyncpa.u1 $0x1  }
0x87: {  	_ =	strace $0x9000004D  }
0x88: {  	s31 =	stileid.u32;
	[bflag:$0x2] =	sbarrier.arrive $0xFFFF  }
0x89: {  	p0 =	sne.s32 s31, $0x0;
	s0 =	rddreg [dreg:$0x2]  }
0x8a: {  	s0 =	sadd.s32 @!p0 $0x100000, s0  }
0x8b: {  	[sflag:s0] =	ssyncadd.tile.s32 @!p0 $0x1;
	_ =	shalt  }
.Lfunc_end1:
_tile_overlayer_lowered:
.L_overlay_start_2:
0x8c: {  	(tag) =	ssettag $0x2  }
0x8d: {  	s0 =	rddreg [dreg:$0x0];
	s2 =	stileid.u32  }
0x8e: {  	s1 =	rddreg [dreg:$0x1];
	p0 =	sne.s32 s2, $0x0  }
0x8f: {  	s3 =	rddreg [dreg:$0x2];
	[bflag:$0x3] =	sbarrier.arrive $0xFFFF;
	s2 =	simm.s32 @!p0 $0x1C01  }
0x90: {  	[timem:s3], [sflag:s2] =	dma.local @!p0 [hbm:s0], s1  }
0x91: {  	s0 =	simm.s32 @!p0 $0x1  }
0x92: {  	_ =	swait.ge @!p0 [sflag:s0], s1  }
0x93: {  	s1 =	ssub.s32 @!p0 $0x0, s1;
	[sflag:s0] =	ssyncset.done @!p0 $0x0  }
0x94: {  	[sflag:s0] =	ssyncadd.s32 @!p0 s1  }
0x95: {  	[bflag:$0x3] =	sbarrier.arrive $0xFFFF  }
0x96: {  	_ =	shalt  }

</sc_bundles>
